<compile_context>
chip_gen: v7x
topology: tpu7x:2x2x1
jax: 0.10.2.dev20260603
libtpu: 0.0.44.dev20260713+nightly
codegen_flags: <defaults>
</compile_context>

<pallas_src>
import functools

import jax
import jax.numpy as jnp
from jax import lax
from jax.experimental import pallas as pl
from jax.experimental.pallas import tpu as pltpu
from jax.experimental.pallas import tpu_sc as plsc

_B = 256
_SCB = 128
_N = 2048
_L = 16
_NC = 2
_NW = 16 * _NC
_RW = _SCB // _NW
_CH = _N // _L
_UNROLL = 8
_RG = 2
_BIS = 14


def _gather16(v, idx):
    return lax.gather(
        v, idx[:, None],
        lax.GatherDimensionNumbers(offset_dims=(), collapsed_slice_dims=(0,),
                                   start_index_map=(0,)),
        (1,), mode=lax.GatherScatterMode.PROMISE_IN_BOUNDS)


def _bfly_sum(v):
    lanes = lax.iota(jnp.int32, _L)
    for sh in (8, 4, 2, 1):
        v = v + _gather16(v, (lanes + sh) & (_L - 1))
    return v


def _sc_scale_body(x_hbm, k_hbm, out_hbm, xv, kv, sv):
    wid = lax.axis_index("s") * _NC + lax.axis_index("c")
    base = wid * _RW
    pltpu.sync_copy(x_hbm.at[pl.ds(base, _RW)], xv)
    pltpu.sync_copy(k_hbm, kv)
    kfv = kv[...]
    lanes = lax.iota(jnp.int32, _L)
    onef = jnp.ones((_L,), jnp.float32)
    zerof = jnp.zeros((_L,), jnp.float32)
    halff = jnp.full((_L,), 0.5, jnp.float32)

    nv = jnp.full((_L,), float(_N), jnp.float32)
    res = zerof
    nsteps = _CH // _UNROLL
    for r0 in range(0, _RW, _RG):
        rows = list(range(r0, r0 + _RG))

        def mxp(j, carry):
            mxs = list(carry[:_RG])
            s1s = list(carry[_RG:])
            b0 = j * (_L * _UNROLL)
            for u in range(_UNROLL):
                for t, r in enumerate(rows):
                    v = xv[r, pl.ds(b0 + u * _L, _L)]
                    mxs[t] = jnp.maximum(mxs[t], v)
                    s1s[t] = s1s[t] + v
            return tuple(mxs) + tuple(s1s)

        mres = lax.fori_loop(0, nsteps, mxp, (zerof,) * (2 * _RG))
        mxs = list(mres[:_RG])
        s1s = [_bfly_sum(a) for a in mres[_RG:]]
        for t in range(_RG):
            for sh in (8, 4, 2, 1):
                mxs[t] = jnp.maximum(
                    mxs[t], _gather16(mxs[t], (lanes + sh) & (_L - 1)))

        def bis(_, carry):
            los = list(carry[:_RG])
            his = list(carry[_RG:2 * _RG])
            cls = list(carry[2 * _RG:])
            mids = [(los[t] + his[t]) * halff for t in range(_RG)]

            def ch(j, carry2):
                acc = list(carry2)
                b0 = j * (_L * _UNROLL)
                for u in range(_UNROLL):
                    for t, r in enumerate(rows):
                        a = (u & 1) * _RG + t
                        v = xv[r, pl.ds(b0 + u * _L, _L)]
                        acc[a] = acc[a] + jnp.where(v >= mids[t], onef, zerof)
                return tuple(acc)

            acc = lax.fori_loop(0, nsteps, ch, (zerof,) * (2 * _RG))
            nlo, nhi, ncl = [], [], []
            for t in range(_RG):
                ctot = _bfly_sum(acc[t] + acc[_RG + t])
                ge = ctot >= kfv
                nlo.append(jnp.where(ge, mids[t], los[t]))
                nhi.append(jnp.where(ge, his[t], mids[t]))
                ncl.append(jnp.where(ge, ctot, cls[t]))
            return tuple(nlo) + tuple(nhi) + tuple(ncl)

        bres = lax.fori_loop(0, _BIS, bis,
                             (zerof,) * _RG + tuple(mxs) + (nv,) * _RG)
        vks = list(bres[:_RG])
        cls = list(bres[2 * _RG:])

        def fin(j, carry):
            asm = list(carry)
            b0 = j * (_L * _UNROLL)
            for u in range(_UNROLL):
                for t, r in enumerate(rows):
                    v = xv[r, pl.ds(b0 + u * _L, _L)]
                    asm[t] = asm[t] + jnp.where(v >= vks[t], v, zerof)
            return tuple(asm)

        fres = lax.fori_loop(0, nsteps, fin, (zerof,) * _RG)
        for t in range(_RG):
            s2 = kfv * vks[t] + _bfly_sum(fres[t]) - vks[t] * cls[t]
            ev = jnp.exp(s1s[t] / s2)
            res = jnp.where(lanes == rows[t], ev, res)

    sv[...] = res
    pltpu.sync_copy(sv, out_hbm.at[wid])


def _sc_scale(x2, k16):
    mesh = plsc.VectorSubcoreMesh(core_axis_name="c", subcore_axis_name="s",
                                  num_cores=_NC)
    fn = functools.partial(
        pl.kernel,
        mesh=mesh,
        out_type=jax.ShapeDtypeStruct((_NW, _L), jnp.float32),
        scratch_types=[
            pltpu.VMEM((_RW, _N), jnp.float32),
            pltpu.VMEM((_L,), jnp.float32),
            pltpu.VMEM((_L,), jnp.float32),
        ],
    )(_sc_scale_body)
    return fn(x2, k16)


def _tc_fused_body(k_ref, x_ref, w_ref, b_ref, ssc_ref, o_ref):
    xv = x_ref[...]
    xt = xv[_SCB:, :]
    kf = k_ref[0]
    bsz = xt.shape[0]

    s1 = jnp.sum(xt, axis=1, keepdims=True)
    mx = jnp.max(xt, axis=1, keepdims=True)

    def bis(_, carry):
        lo, hi, cl = carry
        mid = (lo + hi) * 0.5
        cnt = jnp.sum(jnp.where(xt >= mid, 1.0, 0.0), axis=1, keepdims=True)
        ge = cnt >= kf
        return (jnp.where(ge, mid, lo), jnp.where(ge, hi, mid),
                jnp.where(ge, cnt, cl))

    z = jnp.zeros((bsz, 1), jnp.float32)
    nv = jnp.full((bsz, 1), float(_N), jnp.float32)
    vk, _hi, cl = lax.fori_loop(0, _BIS, bis, (z, mx, nv))

    asum = jnp.sum(jnp.where(xt >= vk, xt, 0.0), axis=1, keepdims=True)
    s2 = kf * vk + asum - vk * cl
    tc_scale = jnp.exp(s1 / s2)

    scale = jnp.concatenate([ssc_ref[...], tc_scale], axis=0)
    mm = lax.dot_general(xv, w_ref[...], (((1,), (1,)), ((), ())),
                         preferred_element_type=jnp.float32)
    o_ref[...] = mm * scale + b_ref[...]


def kernel(x, fc_w, fc_b, percentile):
    b, c, h, w = x.shape
    n = c * h * w
    x2 = x.reshape(b, n)
    nc = fc_w.shape[0]
    kk = (n - jnp.round(n * percentile / 100.0)).astype(jnp.float32)
    k16 = jnp.full((_L,), kk, jnp.float32)

    scale_rows = _sc_scale(x2[:_SCB], k16)
    sc_scale = scale_rows[:, :_RW].reshape(_SCB, 1)

    out = pl.pallas_call(
        _tc_fused_body,
        out_shape=jax.ShapeDtypeStruct((b, nc), jnp.float32),
        in_specs=[pl.BlockSpec(memory_space=pltpu.SMEM),
                  pl.BlockSpec(memory_space=pltpu.VMEM),
                  pl.BlockSpec(memory_space=pltpu.VMEM),
                  pl.BlockSpec(memory_space=pltpu.VMEM),
                  pl.BlockSpec(memory_space=pltpu.VMEM)],
    )(kk.reshape(1), x2, fc_w, fc_b.reshape(1, nc), sc_scale)
    return out

# --- scband reference (transcript-rebuilt; emitter-appended) ---
"""Pipeline reference for scband-scale-net-8108898255164 (READ-ONLY COPY).

The authoritative reference and input builder live on the scoring server;
editing this copy changes nothing except your own understanding.
"""

import jax, jax.numpy as jnp
import numpy as np


def setup_inputs(seed: int = 0) -> dict:
    key = jax.random.key(seed)
    k1, k2, k3 = jax.random.split(key, 3)
    # post-ReLU-like nonnegative penultimate features (ResNet-scale: 2048 dims), viewed as (B, C, 1, 1)
    x = jax.random.uniform(k1, (256, 2048, 1, 1), dtype=jnp.float32)
    # classifier fc layer params (1000-way classification)
    fc_w = jax.random.normal(k2, (1000, 2048), dtype=jnp.float32) * 0.02
    fc_b = jax.random.normal(k3, (1000,), dtype=jnp.float32) * 0.01
    return {"x": x, "fc_w": fc_w, "fc_b": fc_b, "percentile": 65}


def reference(x, fc_w, fc_b, percentile):
    # Faithful translation of ScaleNet.forward_threshold:
    #   feature = scale(feature.view(b, -1, 1, 1), percentile)
    #   logits  = fc(feature.view(b, -1))
    b, c, h, w = x.shape
    n = c * h * w
    k = n - jnp.round(n * percentile / 100.0)
    # s1: sum over all activations per sample (before masking)
    s1 = x.sum(axis=(1, 2, 3))
    t = x.reshape(b, n)
    # keep only top-k activations per sample (scale() zeroes the rest in-place)
    v, i = jax.lax.top_k(t, n)
    # s2: sum after top-k masking == sum of top-k values
    keep = jnp.arange(n) < k
    s2 = jnp.where(keep[None, :], v, jnp.float32(0.0)).sum(axis=1)
    sc = s1 / s2
    # output of scale(): ORIGINAL input scaled by exp(s1/s2) (input was cloned before masking)
    feature = x * jnp.exp(sc)[:, None, None, None]
    feature = feature.reshape(b, -1)
    logits = feature @ fc_w.T + fc_b
    return logits

if __name__ == "__main__":
    import jax
    _d = setup_inputs()
    print(jax.jit(kernel)(*tuple(_d.values())))

</pallas_src>

<mosaic_0001>
#map = affine_map<(d0, d1) -> (0, 0)>
#map1 = affine_map<(d0, d1) -> (0)>
module attributes {stable_mosaic.version = 14 : i64} {
  func.func @_sc_scale_body(%arg0: i32, %arg1: i32, %arg2: memref<128x2048xf32, #tpu.memory_space<hbm>>, %arg3: memref<16xf32, #tpu.memory_space<hbm>>, %arg4: memref<32x16xf32, #tpu.memory_space<hbm>>, %arg5: memref<4x2048xf32, #tpu.memory_space<vmem>>, %arg6: memref<16xf32, #tpu.memory_space<vmem>>, %arg7: memref<16xf32, #tpu.memory_space<vmem>>) attributes {dimension_semantics = [#tpu.dimension_semantics<core_parallel>, #tpu.dimension_semantics<subcore_parallel>], iteration_bounds = array<i64: 2, 16>, scalar_prefetch = 0 : i64, scratch_operands = 3 : i64, tpu.core_type = #tpu.core_type<sc_vector_subcore>, window_params = [{transform_indices = #map}, {transform_indices = #map1}, {transform_indices = #map}]} {
    %mul3A = arith.constant 2 : i32
    %mul3A_0 = arith.muli %arg1, %mul3A : i32
    %add3A = arith.addi %mul3A_0, %arg0 : i32
    %mul3A_1 = arith.constant 4 : i32
    %mul3A_2 = arith.muli %add3A, %mul3A_1 : i32
    "tpu.region"() ({
      %run_scoped3A = tpu.sem_alloc : memref<!tpu.dma_semaphore, #tpu.memory_space<semaphore_mem>>
      %dma_start3A = arith.constant 0 : i32
      %dma_start3A_570 = tpu.memref_slice %arg2[%mul3A_2, %dma_start3A] : memref<128x2048xf32, #tpu.memory_space<hbm>> -> memref<4x2048xf32, #tpu.memory_space<hbm>>
      %dma_start3A_571 = arith.constant 0 : i32
      %dma_start3A_572 = tpu.memref_slice %arg2[%mul3A_2, %dma_start3A_571] : memref<128x2048xf32, #tpu.memory_space<hbm>> -> memref<4x2048xf32, #tpu.memory_space<hbm>>
      tpu.enqueue_dma source(%dma_start3A_572 : memref<4x2048xf32, #tpu.memory_space<hbm>>) target(%arg5 : memref<4x2048xf32, #tpu.memory_space<vmem>>) target_semaphore(%run_scoped3A : memref<!tpu.dma_semaphore, #tpu.memory_space<semaphore_mem>>)
      %dma_wait3A = arith.constant 0 : i32
      %dma_wait3A_573 = tpu.memref_slice %arg2[%mul3A_2, %dma_wait3A] : memref<128x2048xf32, #tpu.memory_space<hbm>> -> memref<4x2048xf32, #tpu.memory_space<hbm>>
      %dma_wait3A_574 = arith.constant 0 : i32
      %dma_wait3A_575 = tpu.memref_slice %arg2[%mul3A_2, %dma_wait3A_574] : memref<128x2048xf32, #tpu.memory_space<hbm>> -> memref<4x2048xf32, #tpu.memory_space<hbm>>
      tpu.wait_dma2 semaphore(%run_scoped3A : memref<!tpu.dma_semaphore, #tpu.memory_space<semaphore_mem>>) src(%dma_wait3A_575 : memref<4x2048xf32, #tpu.memory_space<hbm>>) dst(%arg5 : memref<4x2048xf32, #tpu.memory_space<vmem>>)
      tpu.yield
    }) : () -> ()
    "tpu.region"() ({
      %run_scoped3A = tpu.sem_alloc : memref<!tpu.dma_semaphore, #tpu.memory_space<semaphore_mem>>
      tpu.enqueue_dma source(%arg3 : memref<16xf32, #tpu.memory_space<hbm>>) target(%arg6 : memref<16xf32, #tpu.memory_space<vmem>>) target_semaphore(%run_scoped3A : memref<!tpu.dma_semaphore, #tpu.memory_space<semaphore_mem>>)
      tpu.wait_dma2 semaphore(%run_scoped3A : memref<!tpu.dma_semaphore, #tpu.memory_space<semaphore_mem>>) src(%arg3 : memref<16xf32, #tpu.memory_space<hbm>>) dst(%arg6 : memref<16xf32, #tpu.memory_space<vmem>>)
      tpu.yield
    }) : () -> ()
    %get3A = arith.constant 0 : index
    %get3A_3 = tpu.vector_load %arg6[%get3A] {strides = array<i32>} : memref<16xf32, #tpu.memory_space<vmem>>, vector<16xf32>,
    %get3A_4 = vector.shape_cast %get3A_3 : vector<16xf32> to vector<16xf32>
    %iota3A = tpu.iota {dimensions = array<i32: 0>} : vector<16xi32>
    %broadcast_in_dim3A = arith.constant 1.000000e+00 : f32
    %broadcast_in_dim3A_5 = vector.broadcast %broadcast_in_dim3A : f32 to vector<16xf32>
    %broadcast_in_dim3A_6 = arith.constant 0.000000e+00 : f32
    %broadcast_in_dim3A_7 = vector.broadcast %broadcast_in_dim3A_6 : f32 to vector<16xf32>
    %broadcast_in_dim3A_8 = arith.constant 5.000000e-01 : f32
    %broadcast_in_dim3A_9 = vector.broadcast %broadcast_in_dim3A_8 : f32 to vector<16xf32>
    %broadcast_in_dim3A_10 = arith.constant 2.048000e+03 : f32
    %broadcast_in_dim3A_11 = vector.broadcast %broadcast_in_dim3A_10 : f32 to vector<16xf32>
    %scan3A = arith.constant 0 : i32
    %scan3A_12 = arith.constant 16 : i32
    %scan3A_13 = arith.addi %scan3A, %scan3A_12 : i32
    %scan3A_14 = arith.constant 1 : i32
    %scan3A_15:4 = scf.for %scan3A_570 = %scan3A to %scan3A_13 step %scan3A_14 iter_args(%scan3A_571 = %broadcast_in_dim3A_7, %scan3A_572 = %broadcast_in_dim3A_7, %scan3A_573 = %broadcast_in_dim3A_7, %scan3A_574 = %broadcast_in_dim3A_7) -> (vector<16xf32>, vector<16xf32>, vector<16xf32>, vector<16xf32>)  : i32 {
      %mul3A_575 = arith.constant 128 : i32
      %mul3A_576 = arith.muli %scan3A_570, %mul3A_575 : i32
      %add3A_577 = arith.constant 0 : i32
      %add3A_578 = arith.addi %mul3A_576, %add3A_577 : i32
      %get3A_579 = arith.constant 0 : i32
      %get3A_580 = arith.index_cast %get3A_579 : i32 to index
      %get3A_581 = arith.index_cast %add3A_578 : i32 to index
      %get3A_582 = tpu.vector_load %arg5[%get3A_580, %get3A_581] {strides = array<i32>} : memref<4x2048xf32, #tpu.memory_space<vmem>>, vector<1x16xf32>,
      %get3A_583 = vector.shape_cast %get3A_582 : vector<1x16xf32> to vector<16xf32>
      %max3A_584 = arith.maximumf %scan3A_571, %get3A_583 : vector<16xf32>
      %add3A_585 = arith.addf %scan3A_573, %get3A_583 : vector<16xf32>
      %add3A_586 = arith.constant 0 : i32
      %add3A_587 = arith.addi %mul3A_576, %add3A_586 : i32
      %get3A_588 = arith.constant 1 : i32
      %get3A_589 = arith.index_cast %get3A_588 : i32 to index
      %get3A_590 = arith.index_cast %add3A_587 : i32 to index
      %get3A_591 = tpu.vector_load %arg5[%get3A_589, %get3A_590] {strides = array<i32>} : memref<4x2048xf32, #tpu.memory_space<vmem>>, vector<1x16xf32>,
      %get3A_592 = vector.shape_cast %get3A_591 : vector<1x16xf32> to vector<16xf32>
      %max3A_593 = arith.maximumf %scan3A_572, %get3A_592 : vector<16xf32>
      %add3A_594 = arith.addf %scan3A_574, %get3A_592 : vector<16xf32>
      %add3A_595 = arith.constant 16 : i32
      %add3A_596 = arith.addi %mul3A_576, %add3A_595 : i32
      %get3A_597 = arith.constant 0 : i32
      %get3A_598 = arith.index_cast %get3A_597 : i32 to index
      %get3A_599 = arith.index_cast %add3A_596 : i32 to index
      %get3A_600 = tpu.vector_load %arg5[%get3A_598, %get3A_599] {strides = array<i32>} : memref<4x2048xf32, #tpu.memory_space<vmem>>, vector<1x16xf32>,
      %get3A_601 = vector.shape_cast %get3A_600 : vector<1x16xf32> to vector<16xf32>
      %max3A_602 = arith.maximumf %max3A_584, %get3A_601 : vector<16xf32>
      %add3A_603 = arith.addf %add3A_585, %get3A_601 : vector<16xf32>
      %add3A_604 = arith.constant 16 : i32
      %add3A_605 = arith.addi %mul3A_576, %add3A_604 : i32
      %get3A_606 = arith.constant 1 : i32
      %get3A_607 = arith.index_cast %get3A_606 : i32 to index
      %get3A_608 = arith.index_cast %add3A_605 : i32 to index
      %get3A_609 = tpu.vector_load %arg5[%get3A_607, %get3A_608] {strides = array<i32>} : memref<4x2048xf32, #tpu.memory_space<vmem>>, vector<1x16xf32>,
      %get3A_610 = vector.shape_cast %get3A_609 : vector<1x16xf32> to vector<16xf32>
      %max3A_611 = arith.maximumf %max3A_593, %get3A_610 : vector<16xf32>
      %add3A_612 = arith.addf %add3A_594, %get3A_610 : vector<16xf32>
      %add3A_613 = arith.constant 32 : i32
      %add3A_614 = arith.addi %mul3A_576, %add3A_613 : i32
      %get3A_615 = arith.constant 0 : i32
      %get3A_616 = arith.index_cast %get3A_615 : i32 to index
      %get3A_617 = arith.index_cast %add3A_614 : i32 to index
      %get3A_618 = tpu.vector_load %arg5[%get3A_616, %get3A_617] {strides = array<i32>} : memref<4x2048xf32, #tpu.memory_space<vmem>>, vector<1x16xf32>,
      %get3A_619 = vector.shape_cast %get3A_618 : vector<1x16xf32> to vector<16xf32>
      %max3A_620 = arith.maximumf %max3A_602, %get3A_619 : vector<16xf32>
      %add3A_621 = arith.addf %add3A_603, %get3A_619 : vector<16xf32>
      %add3A_622 = arith.constant 32 : i32
      %add3A_623 = arith.addi %mul3A_576, %add3A_622 : i32
      %get3A_624 = arith.constant 1 : i32
      %get3A_625 = arith.index_cast %get3A_624 : i32 to index
      %get3A_626 = arith.index_cast %add3A_623 : i32 to index
      %get3A_627 = tpu.vector_load %arg5[%get3A_625, %get3A_626] {strides = array<i32>} : memref<4x2048xf32, #tpu.memory_space<vmem>>, vector<1x16xf32>,
      %get3A_628 = vector.shape_cast %get3A_627 : vector<1x16xf32> to vector<16xf32>
      %max3A_629 = arith.maximumf %max3A_611, %get3A_628 : vector<16xf32>
      %add3A_630 = arith.addf %add3A_612, %get3A_628 : vector<16xf32>
      %add3A_631 = arith.constant 48 : i32
      %add3A_632 = arith.addi %mul3A_576, %add3A_631 : i32
      %get3A_633 = arith.constant 0 : i32
      %get3A_634 = arith.index_cast %get3A_633 : i32 to index
      %get3A_635 = arith.index_cast %add3A_632 : i32 to index
      %get3A_636 = tpu.vector_load %arg5[%get3A_634, %get3A_635] {strides = array<i32>} : memref<4x2048xf32, #tpu.memory_space<vmem>>, vector<1x16xf32>,
      %get3A_637 = vector.shape_cast %get3A_636 : vector<1x16xf32> to vector<16xf32>
      %max3A_638 = arith.maximumf %max3A_620, %get3A_637 : vector<16xf32>
      %add3A_639 = arith.addf %add3A_621, %get3A_637 : vector<16xf32>
      %add3A_640 = arith.constant 48 : i32
      %add3A_641 = arith.addi %mul3A_576, %add3A_640 : i32
      %get3A_642 = arith.constant 1 : i32
      %get3A_643 = arith.index_cast %get3A_642 : i32 to index
      %get3A_644 = arith.index_cast %add3A_641 : i32 to index
      %get3A_645 = tpu.vector_load %arg5[%get3A_643, %get3A_644] {strides = array<i32>} : memref<4x2048xf32, #tpu.memory_space<vmem>>, vector<1x16xf32>,
      %get3A_646 = vector.shape_cast %get3A_645 : vector<1x16xf32> to vector<16xf32>
      %max3A_647 = arith.maximumf %max3A_629, %get3A_646 : vector<16xf32>
      %add3A_648 = arith.addf %add3A_630, %get3A_646 : vector<16xf32>
      %add3A_649 = arith.constant 64 : i32
      %add3A_650 = arith.addi %mul3A_576, %add3A_649 : i32
      %get3A_651 = arith.constant 0 : i32
      %get3A_652 = arith.index_cast %get3A_651 : i32 to index
      %get3A_653 = arith.index_cast %add3A_650 : i32 to index
      %get3A_654 = tpu.vector_load %arg5[%get3A_652, %get3A_653] {strides = array<i32>} : memref<4x2048xf32, #tpu.memory_space<vmem>>, vector<1x16xf32>,
      %get3A_655 = vector.shape_cast %get3A_654 : vector<1x16xf32> to vector<16xf32>
      %max3A_656 = arith.maximumf %max3A_638, %get3A_655 : vector<16xf32>
      %add3A_657 = arith.addf %add3A_639, %get3A_655 : vector<16xf32>
      %add3A_658 = arith.constant 64 : i32
      %add3A_659 = arith.addi %mul3A_576, %add3A_658 : i32
      %get3A_660 = arith.constant 1 : i32
      %get3A_661 = arith.index_cast %get3A_660 : i32 to index
      %get3A_662 = arith.index_cast %add3A_659 : i32 to index
      %get3A_663 = tpu.vector_load %arg5[%get3A_661, %get3A_662] {strides = array<i32>} : memref<4x2048xf32, #tpu.memory_space<vmem>>, vector<1x16xf32>,
      %get3A_664 = vector.shape_cast %get3A_663 : vector<1x16xf32> to vector<16xf32>
      %max3A_665 = arith.maximumf %max3A_647, %get3A_664 : vector<16xf32>
      %add3A_666 = arith.addf %add3A_648, %get3A_664 : vector<16xf32>
      %add3A_667 = arith.constant 80 : i32
      %add3A_668 = arith.addi %mul3A_576, %add3A_667 : i32
      %get3A_669 = arith.constant 0 : i32
      %get3A_670 = arith.index_cast %get3A_669 : i32 to index
      %get3A_671 = arith.index_cast %add3A_668 : i32 to index
      %get3A_672 = tpu.vector_load %arg5[%get3A_670, %get3A_671] {strides = array<i32>} : memref<4x2048xf32, #tpu.memory_space<vmem>>, vector<1x16xf32>,
      %get3A_673 = vector.shape_cast %get3A_672 : vector<1x16xf32> to vector<16xf32>
      %max3A_674 = arith.maximumf %max3A_656, %get3A_673 : vector<16xf32>
      %add3A_675 = arith.addf %add3A_657, %get3A_673 : vector<16xf32>
      %add3A_676 = arith.constant 80 : i32
      %add3A_677 = arith.addi %mul3A_576, %add3A_676 : i32
      %get3A_678 = arith.constant 1 : i32
      %get3A_679 = arith.index_cast %get3A_678 : i32 to index
      %get3A_680 = arith.index_cast %add3A_677 : i32 to index
      %get3A_681 = tpu.vector_load %arg5[%get3A_679, %get3A_680] {strides = array<i32>} : memref<4x2048xf32, #tpu.memory_space<vmem>>, vector<1x16xf32>,
      %get3A_682 = vector.shape_cast %get3A_681 : vector<1x16xf32> to vector<16xf32>
      %max3A_683 = arith.maximumf %max3A_665, %get3A_682 : vector<16xf32>
      %add3A_684 = arith.addf %add3A_666, %get3A_682 : vector<16xf32>
      %add3A_685 = arith.constant 96 : i32
      %add3A_686 = arith.addi %mul3A_576, %add3A_685 : i32
      %get3A_687 = arith.constant 0 : i32
      %get3A_688 = arith.index_cast %get3A_687 : i32 to index
      %get3A_689 = arith.index_cast %add3A_686 : i32 to index
      %get3A_690 = tpu.vector_load %arg5[%get3A_688, %get3A_689] {strides = array<i32>} : memref<4x2048xf32, #tpu.memory_space<vmem>>, vector<1x16xf32>,
      %get3A_691 = vector.shape_cast %get3A_690 : vector<1x16xf32> to vector<16xf32>
      %max3A_692 = arith.maximumf %max3A_674, %get3A_691 : vector<16xf32>
      %add3A_693 = arith.addf %add3A_675, %get3A_691 : vector<16xf32>
      %add3A_694 = arith.constant 96 : i32
      %add3A_695 = arith.addi %mul3A_576, %add3A_694 : i32
      %get3A_696 = arith.constant 1 : i32
      %get3A_697 = arith.index_cast %get3A_696 : i32 to index
      %get3A_698 = arith.index_cast %add3A_695 : i32 to index
      %get3A_699 = tpu.vector_load %arg5[%get3A_697, %get3A_698] {strides = array<i32>} : memref<4x2048xf32, #tpu.memory_space<vmem>>, vector<1x16xf32>,
      %get3A_700 = vector.shape_cast %get3A_699 : vector<1x16xf32> to vector<16xf32>
      %max3A_701 = arith.maximumf %max3A_683, %get3A_700 : vector<16xf32>
      %add3A_702 = arith.addf %add3A_684, %get3A_700 : vector<16xf32>
      %add3A_703 = arith.constant 112 : i32
      %add3A_704 = arith.addi %mul3A_576, %add3A_703 : i32
      %get3A_705 = arith.constant 0 : i32
      %get3A_706 = arith.index_cast %get3A_705 : i32 to index
      %get3A_707 = arith.index_cast %add3A_704 : i32 to index
      %get3A_708 = tpu.vector_load %arg5[%get3A_706, %get3A_707] {strides = array<i32>} : memref<4x2048xf32, #tpu.memory_space<vmem>>, vector<1x16xf32>,
      %get3A_709 = vector.shape_cast %get3A_708 : vector<1x16xf32> to vector<16xf32>
      %max3A_710 = arith.maximumf %max3A_692, %get3A_709 : vector<16xf32>
      %add3A_711 = arith.addf %add3A_693, %get3A_709 : vector<16xf32>
      %add3A_712 = arith.constant 112 : i32
      %add3A_713 = arith.addi %mul3A_576, %add3A_712 : i32
      %get3A_714 = arith.constant 1 : i32
      %get3A_715 = arith.index_cast %get3A_714 : i32 to index
      %get3A_716 = arith.index_cast %add3A_713 : i32 to index
      %get3A_717 = tpu.vector_load %arg5[%get3A_715, %get3A_716] {strides = array<i32>} : memref<4x2048xf32, #tpu.memory_space<vmem>>, vector<1x16xf32>,
      %get3A_718 = vector.shape_cast %get3A_717 : vector<1x16xf32> to vector<16xf32>
      %max3A_719 = arith.maximumf %max3A_701, %get3A_718 : vector<16xf32>
      %add3A_720 = arith.addf %add3A_702, %get3A_718 : vector<16xf32>
      scf.yield %max3A_710, %max3A_719, %add3A_711, %add3A_720 : vector<16xf32>, vector<16xf32>, vector<16xf32>, vector<16xf32>
    }
    %scan3A_16 = arith.constant 16 : i32
    %iota3A_17 = tpu.iota {dimensions = array<i32: 0>} : vector<16xi32>
    %add3A_18 = arith.constant 8 : i32
    %add3A_19 = vector.broadcast %add3A_18 : i32 to vector<16xi32>
    %add3A_20 = arith.addi %iota3A_17, %add3A_19 : vector<16xi32>
    %and3A = arith.constant 15 : i32
    %and3A_21 = vector.broadcast %and3A : i32 to vector<16xi32>
    %and3A_22 = arith.andi %add3A_20, %and3A_21 : vector<16xi32>
    %broadcast_in_dim3A_23 = vector.shape_cast %and3A_22 : vector<16xi32> to vector<16x1xi32>
    %gather3A = vector.shape_cast %broadcast_in_dim3A_23 : vector<16x1xi32> to vector<16xi32>
    %gather3A_24 = tpu.dynamic_gather %scan3A_15#2[%gather3A] in [0] : vector<16xf32>, vector<16xi32> -> vector<16xf32>
    %add3A_25 = arith.addf %scan3A_15#2, %gather3A_24 : vector<16xf32>
    %add3A_26 = arith.constant 4 : i32
    %add3A_27 = vector.broadcast %add3A_26 : i32 to vector<16xi32>
    %add3A_28 = arith.addi %iota3A_17, %add3A_27 : vector<16xi32>
    %and3A_29 = arith.constant 15 : i32
    %and3A_30 = vector.broadcast %and3A_29 : i32 to vector<16xi32>
    %and3A_31 = arith.andi %add3A_28, %and3A_30 : vector<16xi32>
    %broadcast_in_dim3A_32 = vector.shape_cast %and3A_31 : vector<16xi32> to vector<16x1xi32>
    %gather3A_33 = vector.shape_cast %broadcast_in_dim3A_32 : vector<16x1xi32> to vector<16xi32>
    %gather3A_34 = tpu.dynamic_gather %add3A_25[%gather3A_33] in [0] : vector<16xf32>, vector<16xi32> -> vector<16xf32>
    %add3A_35 = arith.addf %add3A_25, %gather3A_34 : vector<16xf32>
    %add3A_36 = arith.constant 2 : i32
    %add3A_37 = vector.broadcast %add3A_36 : i32 to vector<16xi32>
    %add3A_38 = arith.addi %iota3A_17, %add3A_37 : vector<16xi32>
    %and3A_39 = arith.constant 15 : i32
    %and3A_40 = vector.broadcast %and3A_39 : i32 to vector<16xi32>
    %and3A_41 = arith.andi %add3A_38, %and3A_40 : vector<16xi32>
    %broadcast_in_dim3A_42 = vector.shape_cast %and3A_41 : vector<16xi32> to vector<16x1xi32>
    %gather3A_43 = vector.shape_cast %broadcast_in_dim3A_42 : vector<16x1xi32> to vector<16xi32>
    %gather3A_44 = tpu.dynamic_gather %add3A_35[%gather3A_43] in [0] : vector<16xf32>, vector<16xi32> -> vector<16xf32>
    %add3A_45 = arith.addf %add3A_35, %gather3A_44 : vector<16xf32>
    %add3A_46 = arith.constant 1 : i32
    %add3A_47 = vector.broadcast %add3A_46 : i32 to vector<16xi32>
    %add3A_48 = arith.addi %iota3A_17, %add3A_47 : vector<16xi32>
    %and3A_49 = arith.constant 15 : i32
    %and3A_50 = vector.broadcast %and3A_49 : i32 to vector<16xi32>
    %and3A_51 = arith.andi %add3A_48, %and3A_50 : vector<16xi32>
    %broadcast_in_dim3A_52 = vector.shape_cast %and3A_51 : vector<16xi32> to vector<16x1xi32>
    %gather3A_53 = vector.shape_cast %broadcast_in_dim3A_52 : vector<16x1xi32> to vector<16xi32>
    %gather3A_54 = tpu.dynamic_gather %add3A_45[%gather3A_53] in [0] : vector<16xf32>, vector<16xi32> -> vector<16xf32>
    %add3A_55 = arith.addf %add3A_45, %gather3A_54 : vector<16xf32>
    %iota3A_56 = tpu.iota {dimensions = array<i32: 0>} : vector<16xi32>
    %add3A_57 = arith.constant 8 : i32
    %add3A_58 = vector.broadcast %add3A_57 : i32 to vector<16xi32>
    %add3A_59 = arith.addi %iota3A_56, %add3A_58 : vector<16xi32>
    %and3A_60 = arith.constant 15 : i32
    %and3A_61 = vector.broadcast %and3A_60 : i32 to vector<16xi32>
    %and3A_62 = arith.andi %add3A_59, %and3A_61 : vector<16xi32>
    %broadcast_in_dim3A_63 = vector.shape_cast %and3A_62 : vector<16xi32> to vector<16x1xi32>
    %gather3A_64 = vector.shape_cast %broadcast_in_dim3A_63 : vector<16x1xi32> to vector<16xi32>
    %gather3A_65 = tpu.dynamic_gather %scan3A_15#3[%gather3A_64] in [0] : vector<16xf32>, vector<16xi32> -> vector<16xf32>
    %add3A_66 = arith.addf %scan3A_15#3, %gather3A_65 : vector<16xf32>
    %add3A_67 = arith.constant 4 : i32
    %add3A_68 = vector.broadcast %add3A_67 : i32 to vector<16xi32>
    %add3A_69 = arith.addi %iota3A_56, %add3A_68 : vector<16xi32>
    %and3A_70 = arith.constant 15 : i32
    %and3A_71 = vector.broadcast %and3A_70 : i32 to vector<16xi32>
    %and3A_72 = arith.andi %add3A_69, %and3A_71 : vector<16xi32>
    %broadcast_in_dim3A_73 = vector.shape_cast %and3A_72 : vector<16xi32> to vector<16x1xi32>
    %gather3A_74 = vector.shape_cast %broadcast_in_dim3A_73 : vector<16x1xi32> to vector<16xi32>
    %gather3A_75 = tpu.dynamic_gather %add3A_66[%gather3A_74] in [0] : vector<16xf32>, vector<16xi32> -> vector<16xf32>
    %add3A_76 = arith.addf %add3A_66, %gather3A_75 : vector<16xf32>
    %add3A_77 = arith.constant 2 : i32
    %add3A_78 = vector.broadcast %add3A_77 : i32 to vector<16xi32>
    %add3A_79 = arith.addi %iota3A_56, %add3A_78 : vector<16xi32>
    %and3A_80 = arith.constant 15 : i32
    %and3A_81 = vector.broadcast %and3A_80 : i32 to vector<16xi32>
    %and3A_82 = arith.andi %add3A_79, %and3A_81 : vector<16xi32>
    %broadcast_in_dim3A_83 = vector.shape_cast %and3A_82 : vector<16xi32> to vector<16x1xi32>
    %gather3A_84 = vector.shape_cast %broadcast_in_dim3A_83 : vector<16x1xi32> to vector<16xi32>
    %gather3A_85 = tpu.dynamic_gather %add3A_76[%gather3A_84] in [0] : vector<16xf32>, vector<16xi32> -> vector<16xf32>
    %add3A_86 = arith.addf %add3A_76, %gather3A_85 : vector<16xf32>
    %add3A_87 = arith.constant 1 : i32
    %add3A_88 = vector.broadcast %add3A_87 : i32 to vector<16xi32>
    %add3A_89 = arith.addi %iota3A_56, %add3A_88 : vector<16xi32>
    %and3A_90 = arith.constant 15 : i32
    %and3A_91 = vector.broadcast %and3A_90 : i32 to vector<16xi32>
    %and3A_92 = arith.andi %add3A_89, %and3A_91 : vector<16xi32>
    %broadcast_in_dim3A_93 = vector.shape_cast %and3A_92 : vector<16xi32> to vector<16x1xi32>
    %gather3A_94 = vector.shape_cast %broadcast_in_dim3A_93 : vector<16x1xi32> to vector<16xi32>
    %gather3A_95 = tpu.dynamic_gather %add3A_86[%gather3A_94] in [0] : vector<16xf32>, vector<16xi32> -> vector<16xf32>
    %add3A_96 = arith.addf %add3A_86, %gather3A_95 : vector<16xf32>
    %add3A_97 = arith.constant 8 : i32
    %add3A_98 = vector.broadcast %add3A_97 : i32 to vector<16xi32>
    %add3A_99 = arith.addi %iota3A, %add3A_98 : vector<16xi32>
    %and3A_100 = arith.constant 15 : i32
    %and3A_101 = vector.broadcast %and3A_100 : i32 to vector<16xi32>
    %and3A_102 = arith.andi %add3A_99, %and3A_101 : vector<16xi32>
    %broadcast_in_dim3A_103 = vector.shape_cast %and3A_102 : vector<16xi32> to vector<16x1xi32>
    %gather3A_104 = vector.shape_cast %broadcast_in_dim3A_103 : vector<16x1xi32> to vector<16xi32>
    %gather3A_105 = tpu.dynamic_gather %scan3A_15#0[%gather3A_104] in [0] : vector<16xf32>, vector<16xi32> -> vector<16xf32>
    %max3A = arith.maximumf %scan3A_15#0, %gather3A_105 : vector<16xf32>
    %add3A_106 = arith.constant 4 : i32
    %add3A_107 = vector.broadcast %add3A_106 : i32 to vector<16xi32>
    %add3A_108 = arith.addi %iota3A, %add3A_107 : vector<16xi32>
    %and3A_109 = arith.constant 15 : i32
    %and3A_110 = vector.broadcast %and3A_109 : i32 to vector<16xi32>
    %and3A_111 = arith.andi %add3A_108, %and3A_110 : vector<16xi32>
    %broadcast_in_dim3A_112 = vector.shape_cast %and3A_111 : vector<16xi32> to vector<16x1xi32>
    %gather3A_113 = vector.shape_cast %broadcast_in_dim3A_112 : vector<16x1xi32> to vector<16xi32>
    %gather3A_114 = tpu.dynamic_gather %max3A[%gather3A_113] in [0] : vector<16xf32>, vector<16xi32> -> vector<16xf32>
    %max3A_115 = arith.maximumf %max3A, %gather3A_114 : vector<16xf32>
    %add3A_116 = arith.constant 2 : i32
    %add3A_117 = vector.broadcast %add3A_116 : i32 to vector<16xi32>
    %add3A_118 = arith.addi %iota3A, %add3A_117 : vector<16xi32>
    %and3A_119 = arith.constant 15 : i32
    %and3A_120 = vector.broadcast %and3A_119 : i32 to vector<16xi32>
    %and3A_121 = arith.andi %add3A_118, %and3A_120 : vector<16xi32>
    %broadcast_in_dim3A_122 = vector.shape_cast %and3A_121 : vector<16xi32> to vector<16x1xi32>
    %gather3A_123 = vector.shape_cast %broadcast_in_dim3A_122 : vector<16x1xi32> to vector<16xi32>
    %gather3A_124 = tpu.dynamic_gather %max3A_115[%gather3A_123] in [0] : vector<16xf32>, vector<16xi32> -> vector<16xf32>
    %max3A_125 = arith.maximumf %max3A_115, %gather3A_124 : vector<16xf32>
    %add3A_126 = arith.constant 1 : i32
    %add3A_127 = vector.broadcast %add3A_126 : i32 to vector<16xi32>
    %add3A_128 = arith.addi %iota3A, %add3A_127 : vector<16xi32>
    %and3A_129 = arith.constant 15 : i32
    %and3A_130 = vector.broadcast %and3A_129 : i32 to vector<16xi32>
    %and3A_131 = arith.andi %add3A_128, %and3A_130 : vector<16xi32>
    %broadcast_in_dim3A_132 = vector.shape_cast %and3A_131 : vector<16xi32> to vector<16x1xi32>
    %gather3A_133 = vector.shape_cast %broadcast_in_dim3A_132 : vector<16x1xi32> to vector<16xi32>
    %gather3A_134 = tpu.dynamic_gather %max3A_125[%gather3A_133] in [0] : vector<16xf32>, vector<16xi32> -> vector<16xf32>
    %max3A_135 = arith.maximumf %max3A_125, %gather3A_134 : vector<16xf32>
    %add3A_136 = arith.constant 8 : i32
    %add3A_137 = vector.broadcast %add3A_136 : i32 to vector<16xi32>
    %add3A_138 = arith.addi %iota3A, %add3A_137 : vector<16xi32>
    %and3A_139 = arith.constant 15 : i32
    %and3A_140 = vector.broadcast %and3A_139 : i32 to vector<16xi32>
    %and3A_141 = arith.andi %add3A_138, %and3A_140 : vector<16xi32>
    %broadcast_in_dim3A_142 = vector.shape_cast %and3A_141 : vector<16xi32> to vector<16x1xi32>
    %gather3A_143 = vector.shape_cast %broadcast_in_dim3A_142 : vector<16x1xi32> to vector<16xi32>
    %gather3A_144 = tpu.dynamic_gather %scan3A_15#1[%gather3A_143] in [0] : vector<16xf32>, vector<16xi32> -> vector<16xf32>
    %max3A_145 = arith.maximumf %scan3A_15#1, %gather3A_144 : vector<16xf32>
    %add3A_146 = arith.constant 4 : i32
    %add3A_147 = vector.broadcast %add3A_146 : i32 to vector<16xi32>
    %add3A_148 = arith.addi %iota3A, %add3A_147 : vector<16xi32>
    %and3A_149 = arith.constant 15 : i32
    %and3A_150 = vector.broadcast %and3A_149 : i32 to vector<16xi32>
    %and3A_151 = arith.andi %add3A_148, %and3A_150 : vector<16xi32>
    %broadcast_in_dim3A_152 = vector.shape_cast %and3A_151 : vector<16xi32> to vector<16x1xi32>
    %gather3A_153 = vector.shape_cast %broadcast_in_dim3A_152 : vector<16x1xi32> to vector<16xi32>
    %gather3A_154 = tpu.dynamic_gather %max3A_145[%gather3A_153] in [0] : vector<16xf32>, vector<16xi32> -> vector<16xf32>
    %max3A_155 = arith.maximumf %max3A_145, %gather3A_154 : vector<16xf32>
    %add3A_156 = arith.constant 2 : i32
    %add3A_157 = vector.broadcast %add3A_156 : i32 to vector<16xi32>
    %add3A_158 = arith.addi %iota3A, %add3A_157 : vector<16xi32>
    %and3A_159 = arith.constant 15 : i32
    %and3A_160 = vector.broadcast %and3A_159 : i32 to vector<16xi32>
    %and3A_161 = arith.andi %add3A_158, %and3A_160 : vector<16xi32>
    %broadcast_in_dim3A_162 = vector.shape_cast %and3A_161 : vector<16xi32> to vector<16x1xi32>
    %gather3A_163 = vector.shape_cast %broadcast_in_dim3A_162 : vector<16x1xi32> to vector<16xi32>
    %gather3A_164 = tpu.dynamic_gather %max3A_155[%gather3A_163] in [0] : vector<16xf32>, vector<16xi32> -> vector<16xf32>
    %max3A_165 = arith.maximumf %max3A_155, %gather3A_164 : vector<16xf32>
    %add3A_166 = arith.constant 1 : i32
    %add3A_167 = vector.broadcast %add3A_166 : i32 to vector<16xi32>
    %add3A_168 = arith.addi %iota3A, %add3A_167 : vector<16xi32>
    %and3A_169 = arith.constant 15 : i32
    %and3A_170 = vector.broadcast %and3A_169 : i32 to vector<16xi32>
    %and3A_171 = arith.andi %add3A_168, %and3A_170 : vector<16xi32>
    %broadcast_in_dim3A_172 = vector.shape_cast %and3A_171 : vector<16xi32> to vector<16x1xi32>
    %gather3A_173 = vector.shape_cast %broadcast_in_dim3A_172 : vector<16x1xi32> to vector<16xi32>
    %gather3A_174 = tpu.dynamic_gather %max3A_165[%gather3A_173] in [0] : vector<16xf32>, vector<16xi32> -> vector<16xf32>
    %max3A_175 = arith.maximumf %max3A_165, %gather3A_174 : vector<16xf32>
    %scan3A_176 = arith.constant 0 : i32
    %scan3A_177 = arith.constant 14 : i32
    %scan3A_178 = arith.addi %scan3A_176, %scan3A_177 : i32
    %scan3A_179 = arith.constant 1 : i32
    %scan3A_180:6 = scf.for %scan3A_570 = %scan3A_176 to %scan3A_178 step %scan3A_179 iter_args(%scan3A_571 = %broadcast_in_dim3A_7, %scan3A_572 = %broadcast_in_dim3A_7, %scan3A_573 = %max3A_135, %scan3A_574 = %max3A_175, %scan3A_575 = %broadcast_in_dim3A_11, %scan3A_576 = %broadcast_in_dim3A_11) -> (vector<16xf32>, vector<16xf32>, vector<16xf32>, vector<16xf32>, vector<16xf32>, vector<16xf32>)  : i32 {
      %add3A_577 = arith.addf %scan3A_571, %scan3A_573 : vector<16xf32>
      %mul3A_578 = arith.mulf %add3A_577, %broadcast_in_dim3A_9 : vector<16xf32>
      %add3A_579 = arith.addf %scan3A_572, %scan3A_574 : vector<16xf32>
      %mul3A_580 = arith.mulf %add3A_579, %broadcast_in_dim3A_9 : vector<16xf32>
      %scan3A_581 = arith.constant 0 : i32
      %scan3A_582 = arith.constant 16 : i32
      %scan3A_583 = arith.addi %scan3A_581, %scan3A_582 : i32
      %scan3A_584 = arith.constant 1 : i32
      %scan3A_585:4 = scf.for %scan3A_678 = %scan3A_581 to %scan3A_583 step %scan3A_584 iter_args(%scan3A_679 = %broadcast_in_dim3A_7, %scan3A_680 = %broadcast_in_dim3A_7, %scan3A_681 = %broadcast_in_dim3A_7, %scan3A_682 = %broadcast_in_dim3A_7) -> (vector<16xf32>, vector<16xf32>, vector<16xf32>, vector<16xf32>)  : i32 {
        %mul3A_683 = arith.constant 128 : i32
        %mul3A_684 = arith.muli %scan3A_678, %mul3A_683 : i32
        %add3A_685 = arith.constant 0 : i32
        %add3A_686 = arith.addi %mul3A_684, %add3A_685 : i32
        %get3A_687 = arith.constant 0 : i32
        %get3A_688 = arith.index_cast %get3A_687 : i32 to index
        %get3A_689 = arith.index_cast %add3A_686 : i32 to index
        %get3A_690 = tpu.vector_load %arg5[%get3A_688, %get3A_689] {strides = array<i32>} : memref<4x2048xf32, #tpu.memory_space<vmem>>, vector<1x16xf32>,
        %get3A_691 = vector.shape_cast %get3A_690 : vector<1x16xf32> to vector<16xf32>
        %ge3A_692 = arith.cmpf oge, %get3A_691, %mul3A_578 : vector<16xf32>
        %select_n3A_693 = arith.select %ge3A_692, %broadcast_in_dim3A_5, %broadcast_in_dim3A_7 : vector<16xi1>, vector<16xf32>
        %add3A_694 = arith.addf %scan3A_679, %select_n3A_693 : vector<16xf32>
        %add3A_695 = arith.constant 0 : i32
        %add3A_696 = arith.addi %mul3A_684, %add3A_695 : i32
        %get3A_697 = arith.constant 1 : i32
        %get3A_698 = arith.index_cast %get3A_697 : i32 to index
        %get3A_699 = arith.index_cast %add3A_696 : i32 to index
        %get3A_700 = tpu.vector_load %arg5[%get3A_698, %get3A_699] {strides = array<i32>} : memref<4x2048xf32, #tpu.memory_space<vmem>>, vector<1x16xf32>,
        %get3A_701 = vector.shape_cast %get3A_700 : vector<1x16xf32> to vector<16xf32>
        %ge3A_702 = arith.cmpf oge, %get3A_701, %mul3A_580 : vector<16xf32>
        %select_n3A_703 = arith.select %ge3A_702, %broadcast_in_dim3A_5, %broadcast_in_dim3A_7 : vector<16xi1>, vector<16xf32>
        %add3A_704 = arith.addf %scan3A_680, %select_n3A_703 : vector<16xf32>
        %add3A_705 = arith.constant 16 : i32
        %add3A_706 = arith.addi %mul3A_684, %add3A_705 : i32
        %get3A_707 = arith.constant 0 : i32
        %get3A_708 = arith.index_cast %get3A_707 : i32 to index
        %get3A_709 = arith.index_cast %add3A_706 : i32 to index
        %get3A_710 = tpu.vector_load %arg5[%get3A_708, %get3A_709] {strides = array<i32>} : memref<4x2048xf32, #tpu.memory_space<vmem>>, vector<1x16xf32>,
        %get3A_711 = vector.shape_cast %get3A_710 : vector<1x16xf32> to vector<16xf32>
        %ge3A_712 = arith.cmpf oge, %get3A_711, %mul3A_578 : vector<16xf32>
        %select_n3A_713 = arith.select %ge3A_712, %broadcast_in_dim3A_5, %broadcast_in_dim3A_7 : vector<16xi1>, vector<16xf32>
        %add3A_714 = arith.addf %scan3A_681, %select_n3A_713 : vector<16xf32>
        %add3A_715 = arith.constant 16 : i32
        %add3A_716 = arith.addi %mul3A_684, %add3A_715 : i32
        %get3A_717 = arith.constant 1 : i32
        %get3A_718 = arith.index_cast %get3A_717 : i32 to index
        %get3A_719 = arith.index_cast %add3A_716 : i32 to index
        %get3A_720 = tpu.vector_load %arg5[%get3A_718, %get3A_719] {strides = array<i32>} : memref<4x2048xf32, #tpu.memory_space<vmem>>, vector<1x16xf32>,
        %get3A_721 = vector.shape_cast %get3A_720 : vector<1x16xf32> to vector<16xf32>
        %ge3A_722 = arith.cmpf oge, %get3A_721, %mul3A_580 : vector<16xf32>
        %select_n3A_723 = arith.select %ge3A_722, %broadcast_in_dim3A_5, %broadcast_in_dim3A_7 : vector<16xi1>, vector<16xf32>
        %add3A_724 = arith.addf %scan3A_682, %select_n3A_723 : vector<16xf32>
        %add3A_725 = arith.constant 32 : i32
        %add3A_726 = arith.addi %mul3A_684, %add3A_725 : i32
        %get3A_727 = arith.constant 0 : i32
        %get3A_728 = arith.index_cast %get3A_727 : i32 to index
        %get3A_729 = arith.index_cast %add3A_726 : i32 to index
        %get3A_730 = tpu.vector_load %arg5[%get3A_728, %get3A_729] {strides = array<i32>} : memref<4x2048xf32, #tpu.memory_space<vmem>>, vector<1x16xf32>,
        %get3A_731 = vector.shape_cast %get3A_730 : vector<1x16xf32> to vector<16xf32>
        %ge3A_732 = arith.cmpf oge, %get3A_731, %mul3A_578 : vector<16xf32>
        %select_n3A_733 = arith.select %ge3A_732, %broadcast_in_dim3A_5, %broadcast_in_dim3A_7 : vector<16xi1>, vector<16xf32>
        %add3A_734 = arith.addf %add3A_694, %select_n3A_733 : vector<16xf32>
        %add3A_735 = arith.constant 32 : i32
        %add3A_736 = arith.addi %mul3A_684, %add3A_735 : i32
        %get3A_737 = arith.constant 1 : i32
        %get3A_738 = arith.index_cast %get3A_737 : i32 to index
        %get3A_739 = arith.index_cast %add3A_736 : i32 to index
        %get3A_740 = tpu.vector_load %arg5[%get3A_738, %get3A_739] {strides = array<i32>} : memref<4x2048xf32, #tpu.memory_space<vmem>>, vector<1x16xf32>,
        %get3A_741 = vector.shape_cast %get3A_740 : vector<1x16xf32> to vector<16xf32>
        %ge3A_742 = arith.cmpf oge, %get3A_741, %mul3A_580 : vector<16xf32>
        %select_n3A_743 = arith.select %ge3A_742, %broadcast_in_dim3A_5, %broadcast_in_dim3A_7 : vector<16xi1>, vector<16xf32>
        %add3A_744 = arith.addf %add3A_704, %select_n3A_743 : vector<16xf32>
        %add3A_745 = arith.constant 48 : i32
        %add3A_746 = arith.addi %mul3A_684, %add3A_745 : i32
        %get3A_747 = arith.constant 0 : i32
        %get3A_748 = arith.index_cast %get3A_747 : i32 to index
        %get3A_749 = arith.index_cast %add3A_746 : i32 to index
        %get3A_750 = tpu.vector_load %arg5[%get3A_748, %get3A_749] {strides = array<i32>} : memref<4x2048xf32, #tpu.memory_space<vmem>>, vector<1x16xf32>,
        %get3A_751 = vector.shape_cast %get3A_750 : vector<1x16xf32> to vector<16xf32>
        %ge3A_752 = arith.cmpf oge, %get3A_751, %mul3A_578 : vector<16xf32>
        %select_n3A_753 = arith.select %ge3A_752, %broadcast_in_dim3A_5, %broadcast_in_dim3A_7 : vector<16xi1>, vector<16xf32>
        %add3A_754 = arith.addf %add3A_714, %select_n3A_753 : vector<16xf32>
        %add3A_755 = arith.constant 48 : i32
        %add3A_756 = arith.addi %mul3A_684, %add3A_755 : i32
        %get3A_757 = arith.constant 1 : i32
        %get3A_758 = arith.index_cast %get3A_757 : i32 to index
        %get3A_759 = arith.index_cast %add3A_756 : i32 to index
        %get3A_760 = tpu.vector_load %arg5[%get3A_758, %get3A_759] {strides = array<i32>} : memref<4x2048xf32, #tpu.memory_space<vmem>>, vector<1x16xf32>,
        %get3A_761 = vector.shape_cast %get3A_760 : vector<1x16xf32> to vector<16xf32>
        %ge3A_762 = arith.cmpf oge, %get3A_761, %mul3A_580 : vector<16xf32>
        %select_n3A_763 = arith.select %ge3A_762, %broadcast_in_dim3A_5, %broadcast_in_dim3A_7 : vector<16xi1>, vector<16xf32>
        %add3A_764 = arith.addf %add3A_724, %select_n3A_763 : vector<16xf32>
        %add3A_765 = arith.constant 64 : i32
        %add3A_766 = arith.addi %mul3A_684, %add3A_765 : i32
        %get3A_767 = arith.constant 0 : i32
        %get3A_768 = arith.index_cast %get3A_767 : i32 to index
        %get3A_769 = arith.index_cast %add3A_766 : i32 to index
        %get3A_770 = tpu.vector_load %arg5[%get3A_768, %get3A_769] {strides = array<i32>} : memref<4x2048xf32, #tpu.memory_space<vmem>>, vector<1x16xf32>,
        %get3A_771 = vector.shape_cast %get3A_770 : vector<1x16xf32> to vector<16xf32>
        %ge3A_772 = arith.cmpf oge, %get3A_771, %mul3A_578 : vector<16xf32>
        %select_n3A_773 = arith.select %ge3A_772, %broadcast_in_dim3A_5, %broadcast_in_dim3A_7 : vector<16xi1>, vector<16xf32>
        %add3A_774 = arith.addf %add3A_734, %select_n3A_773 : vector<16xf32>
        %add3A_775 = arith.constant 64 : i32
        %add3A_776 = arith.addi %mul3A_684, %add3A_775 : i32
        %get3A_777 = arith.constant 1 : i32
        %get3A_778 = arith.index_cast %get3A_777 : i32 to index
        %get3A_779 = arith.index_cast %add3A_776 : i32 to index
        %get3A_780 = tpu.vector_load %arg5[%get3A_778, %get3A_779] {strides = array<i32>} : memref<4x2048xf32, #tpu.memory_space<vmem>>, vector<1x16xf32>,
        %get3A_781 = vector.shape_cast %get3A_780 : vector<1x16xf32> to vector<16xf32>
        %ge3A_782 = arith.cmpf oge, %get3A_781, %mul3A_580 : vector<16xf32>
        %select_n3A_783 = arith.select %ge3A_782, %broadcast_in_dim3A_5, %broadcast_in_dim3A_7 : vector<16xi1>, vector<16xf32>
        %add3A_784 = arith.addf %add3A_744, %select_n3A_783 : vector<16xf32>
        %add3A_785 = arith.constant 80 : i32
        %add3A_786 = arith.addi %mul3A_684, %add3A_785 : i32
        %get3A_787 = arith.constant 0 : i32
        %get3A_788 = arith.index_cast %get3A_787 : i32 to index
        %get3A_789 = arith.index_cast %add3A_786 : i32 to index
        %get3A_790 = tpu.vector_load %arg5[%get3A_788, %get3A_789] {strides = array<i32>} : memref<4x2048xf32, #tpu.memory_space<vmem>>, vector<1x16xf32>,
        %get3A_791 = vector.shape_cast %get3A_790 : vector<1x16xf32> to vector<16xf32>
        %ge3A_792 = arith.cmpf oge, %get3A_791, %mul3A_578 : vector<16xf32>
        %select_n3A_793 = arith.select %ge3A_792, %broadcast_in_dim3A_5, %broadcast_in_dim3A_7 : vector<16xi1>, vector<16xf32>
        %add3A_794 = arith.addf %add3A_754, %select_n3A_793 : vector<16xf32>
        %add3A_795 = arith.constant 80 : i32
        %add3A_796 = arith.addi %mul3A_684, %add3A_795 : i32
        %get3A_797 = arith.constant 1 : i32
        %get3A_798 = arith.index_cast %get3A_797 : i32 to index
        %get3A_799 = arith.index_cast %add3A_796 : i32 to index
        %get3A_800 = tpu.vector_load %arg5[%get3A_798, %get3A_799] {strides = array<i32>} : memref<4x2048xf32, #tpu.memory_space<vmem>>, vector<1x16xf32>,
        %get3A_801 = vector.shape_cast %get3A_800 : vector<1x16xf32> to vector<16xf32>
        %ge3A_802 = arith.cmpf oge, %get3A_801, %mul3A_580 : vector<16xf32>
        %select_n3A_803 = arith.select %ge3A_802, %broadcast_in_dim3A_5, %broadcast_in_dim3A_7 : vector<16xi1>, vector<16xf32>
        %add3A_804 = arith.addf %add3A_764, %select_n3A_803 : vector<16xf32>
        %add3A_805 = arith.constant 96 : i32
        %add3A_806 = arith.addi %mul3A_684, %add3A_805 : i32
        %get3A_807 = arith.constant 0 : i32
        %get3A_808 = arith.index_cast %get3A_807 : i32 to index
        %get3A_809 = arith.index_cast %add3A_806 : i32 to index
        %get3A_810 = tpu.vector_load %arg5[%get3A_808, %get3A_809] {strides = array<i32>} : memref<4x2048xf32, #tpu.memory_space<vmem>>, vector<1x16xf32>,
        %get3A_811 = vector.shape_cast %get3A_810 : vector<1x16xf32> to vector<16xf32>
        %ge3A_812 = arith.cmpf oge, %get3A_811, %mul3A_578 : vector<16xf32>
        %select_n3A_813 = arith.select %ge3A_812, %broadcast_in_dim3A_5, %broadcast_in_dim3A_7 : vector<16xi1>, vector<16xf32>
        %add3A_814 = arith.addf %add3A_774, %select_n3A_813 : vector<16xf32>
        %add3A_815 = arith.constant 96 : i32
        %add3A_816 = arith.addi %mul3A_684, %add3A_815 : i32
        %get3A_817 = arith.constant 1 : i32
        %get3A_818 = arith.index_cast %get3A_817 : i32 to index
        %get3A_819 = arith.index_cast %add3A_816 : i32 to index
        %get3A_820 = tpu.vector_load %arg5[%get3A_818, %get3A_819] {strides = array<i32>} : memref<4x2048xf32, #tpu.memory_space<vmem>>, vector<1x16xf32>,
        %get3A_821 = vector.shape_cast %get3A_820 : vector<1x16xf32> to vector<16xf32>
        %ge3A_822 = arith.cmpf oge, %get3A_821, %mul3A_580 : vector<16xf32>
        %select_n3A_823 = arith.select %ge3A_822, %broadcast_in_dim3A_5, %broadcast_in_dim3A_7 : vector<16xi1>, vector<16xf32>
        %add3A_824 = arith.addf %add3A_784, %select_n3A_823 : vector<16xf32>
        %add3A_825 = arith.constant 112 : i32
        %add3A_826 = arith.addi %mul3A_684, %add3A_825 : i32
        %get3A_827 = arith.constant 0 : i32
        %get3A_828 = arith.index_cast %get3A_827 : i32 to index
        %get3A_829 = arith.index_cast %add3A_826 : i32 to index
        %get3A_830 = tpu.vector_load %arg5[%get3A_828, %get3A_829] {strides = array<i32>} : memref<4x2048xf32, #tpu.memory_space<vmem>>, vector<1x16xf32>,
        %get3A_831 = vector.shape_cast %get3A_830 : vector<1x16xf32> to vector<16xf32>
        %ge3A_832 = arith.cmpf oge, %get3A_831, %mul3A_578 : vector<16xf32>
        %select_n3A_833 = arith.select %ge3A_832, %broadcast_in_dim3A_5, %broadcast_in_dim3A_7 : vector<16xi1>, vector<16xf32>
        %add3A_834 = arith.addf %add3A_794, %select_n3A_833 : vector<16xf32>
        %add3A_835 = arith.constant 112 : i32
        %add3A_836 = arith.addi %mul3A_684, %add3A_835 : i32
        %get3A_837 = arith.constant 1 : i32
        %get3A_838 = arith.index_cast %get3A_837 : i32 to index
        %get3A_839 = arith.index_cast %add3A_836 : i32 to index
        %get3A_840 = tpu.vector_load %arg5[%get3A_838, %get3A_839] {strides = array<i32>} : memref<4x2048xf32, #tpu.memory_space<vmem>>, vector<1x16xf32>,
        %get3A_841 = vector.shape_cast %get3A_840 : vector<1x16xf32> to vector<16xf32>
        %ge3A_842 = arith.cmpf oge, %get3A_841, %mul3A_580 : vector<16xf32>
        %select_n3A_843 = arith.select %ge3A_842, %broadcast_in_dim3A_5, %broadcast_in_dim3A_7 : vector<16xi1>, vector<16xf32>
        %add3A_844 = arith.addf %add3A_804, %select_n3A_843 : vector<16xf32>
        scf.yield %add3A_814, %add3A_824, %add3A_834, %add3A_844 : vector<16xf32>, vector<16xf32>, vector<16xf32>, vector<16xf32>
      }
      %scan3A_586 = arith.constant 16 : i32
      %add3A_587 = arith.addf %scan3A_585#0, %scan3A_585#2 : vector<16xf32>
      %iota3A_588 = tpu.iota {dimensions = array<i32: 0>} : vector<16xi32>
      %add3A_589 = arith.constant 8 : i32
      %add3A_590 = vector.broadcast %add3A_589 : i32 to vector<16xi32>
      %add3A_591 = arith.addi %iota3A_588, %add3A_590 : vector<16xi32>
      %and3A_592 = arith.constant 15 : i32
      %and3A_593 = vector.broadcast %and3A_592 : i32 to vector<16xi32>
      %and3A_594 = arith.andi %add3A_591, %and3A_593 : vector<16xi32>
      %broadcast_in_dim3A_595 = vector.shape_cast %and3A_594 : vector<16xi32> to vector<16x1xi32>
      %gather3A_596 = vector.shape_cast %broadcast_in_dim3A_595 : vector<16x1xi32> to vector<16xi32>
      %gather3A_597 = tpu.dynamic_gather %add3A_587[%gather3A_596] in [0] : vector<16xf32>, vector<16xi32> -> vector<16xf32>
      %add3A_598 = arith.addf %add3A_587, %gather3A_597 : vector<16xf32>
      %add3A_599 = arith.constant 4 : i32
      %add3A_600 = vector.broadcast %add3A_599 : i32 to vector<16xi32>
      %add3A_601 = arith.addi %iota3A_588, %add3A_600 : vector<16xi32>
      %and3A_602 = arith.constant 15 : i32
      %and3A_603 = vector.broadcast %and3A_602 : i32 to vector<16xi32>
      %and3A_604 = arith.andi %add3A_601, %and3A_603 : vector<16xi32>
      %broadcast_in_dim3A_605 = vector.shape_cast %and3A_604 : vector<16xi32> to vector<16x1xi32>
      %gather3A_606 = vector.shape_cast %broadcast_in_dim3A_605 : vector<16x1xi32> to vector<16xi32>
      %gather3A_607 = tpu.dynamic_gather %add3A_598[%gather3A_606] in [0] : vector<16xf32>, vector<16xi32> -> vector<16xf32>
      %add3A_608 = arith.addf %add3A_598, %gather3A_607 : vector<16xf32>
      %add3A_609 = arith.constant 2 : i32
      %add3A_610 = vector.broadcast %add3A_609 : i32 to vector<16xi32>
      %add3A_611 = arith.addi %iota3A_588, %add3A_610 : vector<16xi32>
      %and3A_612 = arith.constant 15 : i32
      %and3A_613 = vector.broadcast %and3A_612 : i32 to vector<16xi32>
      %and3A_614 = arith.andi %add3A_611, %and3A_613 : vector<16xi32>
      %broadcast_in_dim3A_615 = vector.shape_cast %and3A_614 : vector<16xi32> to vector<16x1xi32>
      %gather3A_616 = vector.shape_cast %broadcast_in_dim3A_615 : vector<16x1xi32> to vector<16xi32>
      %gather3A_617 = tpu.dynamic_gather %add3A_608[%gather3A_616] in [0] : vector<16xf32>, vector<16xi32> -> vector<16xf32>
      %add3A_618 = arith.addf %add3A_608, %gather3A_617 : vector<16xf32>
      %add3A_619 = arith.constant 1 : i32
      %add3A_620 = vector.broadcast %add3A_619 : i32 to vector<16xi32>
      %add3A_621 = arith.addi %iota3A_588, %add3A_620 : vector<16xi32>
      %and3A_622 = arith.constant 15 : i32
      %and3A_623 = vector.broadcast %and3A_622 : i32 to vector<16xi32>
      %and3A_624 = arith.andi %add3A_621, %and3A_623 : vector<16xi32>
      %broadcast_in_dim3A_625 = vector.shape_cast %and3A_624 : vector<16xi32> to vector<16x1xi32>
      %gather3A_626 = vector.shape_cast %broadcast_in_dim3A_625 : vector<16x1xi32> to vector<16xi32>
      %gather3A_627 = tpu.dynamic_gather %add3A_618[%gather3A_626] in [0] : vector<16xf32>, vector<16xi32> -> vector<16xf32>
      %add3A_628 = arith.addf %add3A_618, %gather3A_627 : vector<16xf32>
      %ge3A = arith.cmpf oge, %add3A_628, %get3A_4 : vector<16xf32>
      %select_n3A_629 = arith.select %ge3A, %mul3A_578, %scan3A_571 : vector<16xi1>, vector<16xf32>
      %select_n3A_630 = arith.select %ge3A, %scan3A_573, %mul3A_578 : vector<16xi1>, vector<16xf32>
      %select_n3A_631 = arith.select %ge3A, %add3A_628, %scan3A_575 : vector<16xi1>, vector<16xf32>
      %add3A_632 = arith.addf %scan3A_585#1, %scan3A_585#3 : vector<16xf32>
      %iota3A_633 = tpu.iota {dimensions = array<i32: 0>} : vector<16xi32>
      %add3A_634 = arith.constant 8 : i32
      %add3A_635 = vector.broadcast %add3A_634 : i32 to vector<16xi32>
      %add3A_636 = arith.addi %iota3A_633, %add3A_635 : vector<16xi32>
      %and3A_637 = arith.constant 15 : i32
      %and3A_638 = vector.broadcast %and3A_637 : i32 to vector<16xi32>
      %and3A_639 = arith.andi %add3A_636, %and3A_638 : vector<16xi32>
      %broadcast_in_dim3A_640 = vector.shape_cast %and3A_639 : vector<16xi32> to vector<16x1xi32>
      %gather3A_641 = vector.shape_cast %broadcast_in_dim3A_640 : vector<16x1xi32> to vector<16xi32>
      %gather3A_642 = tpu.dynamic_gather %add3A_632[%gather3A_641] in [0] : vector<16xf32>, vector<16xi32> -> vector<16xf32>
      %add3A_643 = arith.addf %add3A_632, %gather3A_642 : vector<16xf32>
      %add3A_644 = arith.constant 4 : i32
      %add3A_645 = vector.broadcast %add3A_644 : i32 to vector<16xi32>
      %add3A_646 = arith.addi %iota3A_633, %add3A_645 : vector<16xi32>
      %and3A_647 = arith.constant 15 : i32
      %and3A_648 = vector.broadcast %and3A_647 : i32 to vector<16xi32>
      %and3A_649 = arith.andi %add3A_646, %and3A_648 : vector<16xi32>
      %broadcast_in_dim3A_650 = vector.shape_cast %and3A_649 : vector<16xi32> to vector<16x1xi32>
      %gather3A_651 = vector.shape_cast %broadcast_in_dim3A_650 : vector<16x1xi32> to vector<16xi32>
      %gather3A_652 = tpu.dynamic_gather %add3A_643[%gather3A_651] in [0] : vector<16xf32>, vector<16xi32> -> vector<16xf32>
      %add3A_653 = arith.addf %add3A_643, %gather3A_652 : vector<16xf32>
      %add3A_654 = arith.constant 2 : i32
      %add3A_655 = vector.broadcast %add3A_654 : i32 to vector<16xi32>
      %add3A_656 = arith.addi %iota3A_633, %add3A_655 : vector<16xi32>
      %and3A_657 = arith.constant 15 : i32
      %and3A_658 = vector.broadcast %and3A_657 : i32 to vector<16xi32>
      %and3A_659 = arith.andi %add3A_656, %and3A_658 : vector<16xi32>
      %broadcast_in_dim3A_660 = vector.shape_cast %and3A_659 : vector<16xi32> to vector<16x1xi32>
      %gather3A_661 = vector.shape_cast %broadcast_in_dim3A_660 : vector<16x1xi32> to vector<16xi32>
      %gather3A_662 = tpu.dynamic_gather %add3A_653[%gather3A_661] in [0] : vector<16xf32>, vector<16xi32> -> vector<16xf32>
      %add3A_663 = arith.addf %add3A_653, %gather3A_662 : vector<16xf32>
      %add3A_664 = arith.constant 1 : i32
      %add3A_665 = vector.broadcast %add3A_664 : i32 to vector<16xi32>
      %add3A_666 = arith.addi %iota3A_633, %add3A_665 : vector<16xi32>
      %and3A_667 = arith.constant 15 : i32
      %and3A_668 = vector.broadcast %and3A_667 : i32 to vector<16xi32>
      %and3A_669 = arith.andi %add3A_666, %and3A_668 : vector<16xi32>
      %broadcast_in_dim3A_670 = vector.shape_cast %and3A_669 : vector<16xi32> to vector<16x1xi32>
      %gather3A_671 = vector.shape_cast %broadcast_in_dim3A_670 : vector<16x1xi32> to vector<16xi32>
      %gather3A_672 = tpu.dynamic_gather %add3A_663[%gather3A_671] in [0] : vector<16xf32>, vector<16xi32> -> vector<16xf32>
      %add3A_673 = arith.addf %add3A_663, %gather3A_672 : vector<16xf32>
      %ge3A_674 = arith.cmpf oge, %add3A_673, %get3A_4 : vector<16xf32>
      %select_n3A_675 = arith.select %ge3A_674, %mul3A_580, %scan3A_572 : vector<16xi1>, vector<16xf32>
      %select_n3A_676 = arith.select %ge3A_674, %scan3A_574, %mul3A_580 : vector<16xi1>, vector<16xf32>
      %select_n3A_677 = arith.select %ge3A_674, %add3A_673, %scan3A_576 : vector<16xi1>, vector<16xf32>
      scf.yield %select_n3A_629, %select_n3A_675, %select_n3A_630, %select_n3A_676, %select_n3A_631, %select_n3A_677 : vector<16xf32>, vector<16xf32>, vector<16xf32>, vector<16xf32>, vector<16xf32>, vector<16xf32>
    }
    %scan3A_181 = arith.constant 14 : i32
    %scan3A_182 = arith.constant 0 : i32
    %scan3A_183 = arith.constant 16 : i32
    %scan3A_184 = arith.addi %scan3A_182, %scan3A_183 : i32
    %scan3A_185 = arith.constant 1 : i32
    %scan3A_186:2 = scf.for %scan3A_570 = %scan3A_182 to %scan3A_184 step %scan3A_185 iter_args(%scan3A_571 = %broadcast_in_dim3A_7, %scan3A_572 = %broadcast_in_dim3A_7) -> (vector<16xf32>, vector<16xf32>)  : i32 {
      %mul3A_573 = arith.constant 128 : i32
      %mul3A_574 = arith.muli %scan3A_570, %mul3A_573 : i32
      %add3A_575 = arith.constant 0 : i32
      %add3A_576 = arith.addi %mul3A_574, %add3A_575 : i32
      %get3A_577 = arith.constant 0 : i32
      %get3A_578 = arith.index_cast %get3A_577 : i32 to index
      %get3A_579 = arith.index_cast %add3A_576 : i32 to index
      %get3A_580 = tpu.vector_load %arg5[%get3A_578, %get3A_579] {strides = array<i32>} : memref<4x2048xf32, #tpu.memory_space<vmem>>, vector<1x16xf32>,
      %get3A_581 = vector.shape_cast %get3A_580 : vector<1x16xf32> to vector<16xf32>
      %ge3A = arith.cmpf oge, %get3A_581, %scan3A_180#0 : vector<16xf32>
      %select_n3A_582 = arith.select %ge3A, %get3A_581, %broadcast_in_dim3A_7 : vector<16xi1>, vector<16xf32>
      %add3A_583 = arith.addf %scan3A_571, %select_n3A_582 : vector<16xf32>
      %add3A_584 = arith.constant 0 : i32
      %add3A_585 = arith.addi %mul3A_574, %add3A_584 : i32
      %get3A_586 = arith.constant 1 : i32
      %get3A_587 = arith.index_cast %get3A_586 : i32 to index
      %get3A_588 = arith.index_cast %add3A_585 : i32 to index
      %get3A_589 = tpu.vector_load %arg5[%get3A_587, %get3A_588] {strides = array<i32>} : memref<4x2048xf32, #tpu.memory_space<vmem>>, vector<1x16xf32>,
      %get3A_590 = vector.shape_cast %get3A_589 : vector<1x16xf32> to vector<16xf32>
      %ge3A_591 = arith.cmpf oge, %get3A_590, %scan3A_180#1 : vector<16xf32>
      %select_n3A_592 = arith.select %ge3A_591, %get3A_590, %broadcast_in_dim3A_7 : vector<16xi1>, vector<16xf32>
      %add3A_593 = arith.addf %scan3A_572, %select_n3A_592 : vector<16xf32>
      %add3A_594 = arith.constant 16 : i32
      %add3A_595 = arith.addi %mul3A_574, %add3A_594 : i32
      %get3A_596 = arith.constant 0 : i32
      %get3A_597 = arith.index_cast %get3A_596 : i32 to index
      %get3A_598 = arith.index_cast %add3A_595 : i32 to index
      %get3A_599 = tpu.vector_load %arg5[%get3A_597, %get3A_598] {strides = array<i32>} : memref<4x2048xf32, #tpu.memory_space<vmem>>, vector<1x16xf32>,
      %get3A_600 = vector.shape_cast %get3A_599 : vector<1x16xf32> to vector<16xf32>
      %ge3A_601 = arith.cmpf oge, %get3A_600, %scan3A_180#0 : vector<16xf32>
      %select_n3A_602 = arith.select %ge3A_601, %get3A_600, %broadcast_in_dim3A_7 : vector<16xi1>, vector<16xf32>
      %add3A_603 = arith.addf %add3A_583, %select_n3A_602 : vector<16xf32>
      %add3A_604 = arith.constant 16 : i32
      %add3A_605 = arith.addi %mul3A_574, %add3A_604 : i32
      %get3A_606 = arith.constant 1 : i32
      %get3A_607 = arith.index_cast %get3A_606 : i32 to index
      %get3A_608 = arith.index_cast %add3A_605 : i32 to index
      %get3A_609 = tpu.vector_load %arg5[%get3A_607, %get3A_608] {strides = array<i32>} : memref<4x2048xf32, #tpu.memory_space<vmem>>, vector<1x16xf32>,
      %get3A_610 = vector.shape_cast %get3A_609 : vector<1x16xf32> to vector<16xf32>
      %ge3A_611 = arith.cmpf oge, %get3A_610, %scan3A_180#1 : vector<16xf32>
      %select_n3A_612 = arith.select %ge3A_611, %get3A_610, %broadcast_in_dim3A_7 : vector<16xi1>, vector<16xf32>
      %add3A_613 = arith.addf %add3A_593, %select_n3A_612 : vector<16xf32>
      %add3A_614 = arith.constant 32 : i32
      %add3A_615 = arith.addi %mul3A_574, %add3A_614 : i32
      %get3A_616 = arith.constant 0 : i32
      %get3A_617 = arith.index_cast %get3A_616 : i32 to index
      %get3A_618 = arith.index_cast %add3A_615 : i32 to index
      %get3A_619 = tpu.vector_load %arg5[%get3A_617, %get3A_618] {strides = array<i32>} : memref<4x2048xf32, #tpu.memory_space<vmem>>, vector<1x16xf32>,
      %get3A_620 = vector.shape_cast %get3A_619 : vector<1x16xf32> to vector<16xf32>
      %ge3A_621 = arith.cmpf oge, %get3A_620, %scan3A_180#0 : vector<16xf32>
      %select_n3A_622 = arith.select %ge3A_621, %get3A_620, %broadcast_in_dim3A_7 : vector<16xi1>, vector<16xf32>
      %add3A_623 = arith.addf %add3A_603, %select_n3A_622 : vector<16xf32>
      %add3A_624 = arith.constant 32 : i32
      %add3A_625 = arith.addi %mul3A_574, %add3A_624 : i32
      %get3A_626 = arith.constant 1 : i32
      %get3A_627 = arith.index_cast %get3A_626 : i32 to index
      %get3A_628 = arith.index_cast %add3A_625 : i32 to index
      %get3A_629 = tpu.vector_load %arg5[%get3A_627, %get3A_628] {strides = array<i32>} : memref<4x2048xf32, #tpu.memory_space<vmem>>, vector<1x16xf32>,
      %get3A_630 = vector.shape_cast %get3A_629 : vector<1x16xf32> to vector<16xf32>
      %ge3A_631 = arith.cmpf oge, %get3A_630, %scan3A_180#1 : vector<16xf32>
      %select_n3A_632 = arith.select %ge3A_631, %get3A_630, %broadcast_in_dim3A_7 : vector<16xi1>, vector<16xf32>
      %add3A_633 = arith.addf %add3A_613, %select_n3A_632 : vector<16xf32>
      %add3A_634 = arith.constant 48 : i32
      %add3A_635 = arith.addi %mul3A_574, %add3A_634 : i32
      %get3A_636 = arith.constant 0 : i32
      %get3A_637 = arith.index_cast %get3A_636 : i32 to index
      %get3A_638 = arith.index_cast %add3A_635 : i32 to index
      %get3A_639 = tpu.vector_load %arg5[%get3A_637, %get3A_638] {strides = array<i32>} : memref<4x2048xf32, #tpu.memory_space<vmem>>, vector<1x16xf32>,
      %get3A_640 = vector.shape_cast %get3A_639 : vector<1x16xf32> to vector<16xf32>
      %ge3A_641 = arith.cmpf oge, %get3A_640, %scan3A_180#0 : vector<16xf32>
      %select_n3A_642 = arith.select %ge3A_641, %get3A_640, %broadcast_in_dim3A_7 : vector<16xi1>, vector<16xf32>
      %add3A_643 = arith.addf %add3A_623, %select_n3A_642 : vector<16xf32>
      %add3A_644 = arith.constant 48 : i32
      %add3A_645 = arith.addi %mul3A_574, %add3A_644 : i32
      %get3A_646 = arith.constant 1 : i32
      %get3A_647 = arith.index_cast %get3A_646 : i32 to index
      %get3A_648 = arith.index_cast %add3A_645 : i32 to index
      %get3A_649 = tpu.vector_load %arg5[%get3A_647, %get3A_648] {strides = array<i32>} : memref<4x2048xf32, #tpu.memory_space<vmem>>, vector<1x16xf32>,
      %get3A_650 = vector.shape_cast %get3A_649 : vector<1x16xf32> to vector<16xf32>
      %ge3A_651 = arith.cmpf oge, %get3A_650, %scan3A_180#1 : vector<16xf32>
      %select_n3A_652 = arith.select %ge3A_651, %get3A_650, %broadcast_in_dim3A_7 : vector<16xi1>, vector<16xf32>
      %add3A_653 = arith.addf %add3A_633, %select_n3A_652 : vector<16xf32>
      %add3A_654 = arith.constant 64 : i32
      %add3A_655 = arith.addi %mul3A_574, %add3A_654 : i32
      %get3A_656 = arith.constant 0 : i32
      %get3A_657 = arith.index_cast %get3A_656 : i32 to index
      %get3A_658 = arith.index_cast %add3A_655 : i32 to index
      %get3A_659 = tpu.vector_load %arg5[%get3A_657, %get3A_658] {strides = array<i32>} : memref<4x2048xf32, #tpu.memory_space<vmem>>, vector<1x16xf32>,
      %get3A_660 = vector.shape_cast %get3A_659 : vector<1x16xf32> to vector<16xf32>
      %ge3A_661 = arith.cmpf oge, %get3A_660, %scan3A_180#0 : vector<16xf32>
      %select_n3A_662 = arith.select %ge3A_661, %get3A_660, %broadcast_in_dim3A_7 : vector<16xi1>, vector<16xf32>
      %add3A_663 = arith.addf %add3A_643, %select_n3A_662 : vector<16xf32>
      %add3A_664 = arith.constant 64 : i32
      %add3A_665 = arith.addi %mul3A_574, %add3A_664 : i32
      %get3A_666 = arith.constant 1 : i32
      %get3A_667 = arith.index_cast %get3A_666 : i32 to index
      %get3A_668 = arith.index_cast %add3A_665 : i32 to index
      %get3A_669 = tpu.vector_load %arg5[%get3A_667, %get3A_668] {strides = array<i32>} : memref<4x2048xf32, #tpu.memory_space<vmem>>, vector<1x16xf32>,
      %get3A_670 = vector.shape_cast %get3A_669 : vector<1x16xf32> to vector<16xf32>
      %ge3A_671 = arith.cmpf oge, %get3A_670, %scan3A_180#1 : vector<16xf32>
      %select_n3A_672 = arith.select %ge3A_671, %get3A_670, %broadcast_in_dim3A_7 : vector<16xi1>, vector<16xf32>
      %add3A_673 = arith.addf %add3A_653, %select_n3A_672 : vector<16xf32>
      %add3A_674 = arith.constant 80 : i32
      %add3A_675 = arith.addi %mul3A_574, %add3A_674 : i32
      %get3A_676 = arith.constant 0 : i32
      %get3A_677 = arith.index_cast %get3A_676 : i32 to index
      %get3A_678 = arith.index_cast %add3A_675 : i32 to index
      %get3A_679 = tpu.vector_load %arg5[%get3A_677, %get3A_678] {strides = array<i32>} : memref<4x2048xf32, #tpu.memory_space<vmem>>, vector<1x16xf32>,
      %get3A_680 = vector.shape_cast %get3A_679 : vector<1x16xf32> to vector<16xf32>
      %ge3A_681 = arith.cmpf oge, %get3A_680, %scan3A_180#0 : vector<16xf32>
      %select_n3A_682 = arith.select %ge3A_681, %get3A_680, %broadcast_in_dim3A_7 : vector<16xi1>, vector<16xf32>
      %add3A_683 = arith.addf %add3A_663, %select_n3A_682 : vector<16xf32>
      %add3A_684 = arith.constant 80 : i32
      %add3A_685 = arith.addi %mul3A_574, %add3A_684 : i32
      %get3A_686 = arith.constant 1 : i32
      %get3A_687 = arith.index_cast %get3A_686 : i32 to index
      %get3A_688 = arith.index_cast %add3A_685 : i32 to index
      %get3A_689 = tpu.vector_load %arg5[%get3A_687, %get3A_688] {strides = array<i32>} : memref<4x2048xf32, #tpu.memory_space<vmem>>, vector<1x16xf32>,
      %get3A_690 = vector.shape_cast %get3A_689 : vector<1x16xf32> to vector<16xf32>
      %ge3A_691 = arith.cmpf oge, %get3A_690, %scan3A_180#1 : vector<16xf32>
      %select_n3A_692 = arith.select %ge3A_691, %get3A_690, %broadcast_in_dim3A_7 : vector<16xi1>, vector<16xf32>
      %add3A_693 = arith.addf %add3A_673, %select_n3A_692 : vector<16xf32>
      %add3A_694 = arith.constant 96 : i32
      %add3A_695 = arith.addi %mul3A_574, %add3A_694 : i32
      %get3A_696 = arith.constant 0 : i32
      %get3A_697 = arith.index_cast %get3A_696 : i32 to index
      %get3A_698 = arith.index_cast %add3A_695 : i32 to index
      %get3A_699 = tpu.vector_load %arg5[%get3A_697, %get3A_698] {strides = array<i32>} : memref<4x2048xf32, #tpu.memory_space<vmem>>, vector<1x16xf32>,
      %get3A_700 = vector.shape_cast %get3A_699 : vector<1x16xf32> to vector<16xf32>
      %ge3A_701 = arith.cmpf oge, %get3A_700, %scan3A_180#0 : vector<16xf32>
      %select_n3A_702 = arith.select %ge3A_701, %get3A_700, %broadcast_in_dim3A_7 : vector<16xi1>, vector<16xf32>
      %add3A_703 = arith.addf %add3A_683, %select_n3A_702 : vector<16xf32>
      %add3A_704 = arith.constant 96 : i32
      %add3A_705 = arith.addi %mul3A_574, %add3A_704 : i32
      %get3A_706 = arith.constant 1 : i32
      %get3A_707 = arith.index_cast %get3A_706 : i32 to index
      %get3A_708 = arith.index_cast %add3A_705 : i32 to index
      %get3A_709 = tpu.vector_load %arg5[%get3A_707, %get3A_708] {strides = array<i32>} : memref<4x2048xf32, #tpu.memory_space<vmem>>, vector<1x16xf32>,
      %get3A_710 = vector.shape_cast %get3A_709 : vector<1x16xf32> to vector<16xf32>
      %ge3A_711 = arith.cmpf oge, %get3A_710, %scan3A_180#1 : vector<16xf32>
      %select_n3A_712 = arith.select %ge3A_711, %get3A_710, %broadcast_in_dim3A_7 : vector<16xi1>, vector<16xf32>
      %add3A_713 = arith.addf %add3A_693, %select_n3A_712 : vector<16xf32>
      %add3A_714 = arith.constant 112 : i32
      %add3A_715 = arith.addi %mul3A_574, %add3A_714 : i32
      %get3A_716 = arith.constant 0 : i32
      %get3A_717 = arith.index_cast %get3A_716 : i32 to index
      %get3A_718 = arith.index_cast %add3A_715 : i32 to index
      %get3A_719 = tpu.vector_load %arg5[%get3A_717, %get3A_718] {strides = array<i32>} : memref<4x2048xf32, #tpu.memory_space<vmem>>, vector<1x16xf32>,
      %get3A_720 = vector.shape_cast %get3A_719 : vector<1x16xf32> to vector<16xf32>
      %ge3A_721 = arith.cmpf oge, %get3A_720, %scan3A_180#0 : vector<16xf32>
      %select_n3A_722 = arith.select %ge3A_721, %get3A_720, %broadcast_in_dim3A_7 : vector<16xi1>, vector<16xf32>
      %add3A_723 = arith.addf %add3A_703, %select_n3A_722 : vector<16xf32>
      %add3A_724 = arith.constant 112 : i32
      %add3A_725 = arith.addi %mul3A_574, %add3A_724 : i32
      %get3A_726 = arith.constant 1 : i32
      %get3A_727 = arith.index_cast %get3A_726 : i32 to index
      %get3A_728 = arith.index_cast %add3A_725 : i32 to index
      %get3A_729 = tpu.vector_load %arg5[%get3A_727, %get3A_728] {strides = array<i32>} : memref<4x2048xf32, #tpu.memory_space<vmem>>, vector<1x16xf32>,
      %get3A_730 = vector.shape_cast %get3A_729 : vector<1x16xf32> to vector<16xf32>
      %ge3A_731 = arith.cmpf oge, %get3A_730, %scan3A_180#1 : vector<16xf32>
      %select_n3A_732 = arith.select %ge3A_731, %get3A_730, %broadcast_in_dim3A_7 : vector<16xi1>, vector<16xf32>
      %add3A_733 = arith.addf %add3A_713, %select_n3A_732 : vector<16xf32>
      scf.yield %add3A_723, %add3A_733 : vector<16xf32>, vector<16xf32>
    }
    %scan3A_187 = arith.constant 16 : i32
    %mul3A_188 = arith.mulf %get3A_4, %scan3A_180#0 : vector<16xf32>
    %iota3A_189 = tpu.iota {dimensions = array<i32: 0>} : vector<16xi32>
    %add3A_190 = arith.constant 8 : i32
    %add3A_191 = vector.broadcast %add3A_190 : i32 to vector<16xi32>
    %add3A_192 = arith.addi %iota3A_189, %add3A_191 : vector<16xi32>
    %and3A_193 = arith.constant 15 : i32
    %and3A_194 = vector.broadcast %and3A_193 : i32 to vector<16xi32>
    %and3A_195 = arith.andi %add3A_192, %and3A_194 : vector<16xi32>
    %broadcast_in_dim3A_196 = vector.shape_cast %and3A_195 : vector<16xi32> to vector<16x1xi32>
    %gather3A_197 = vector.shape_cast %broadcast_in_dim3A_196 : vector<16x1xi32> to vector<16xi32>
    %gather3A_198 = tpu.dynamic_gather %scan3A_186#0[%gather3A_197] in [0] : vector<16xf32>, vector<16xi32> -> vector<16xf32>
    %add3A_199 = arith.addf %scan3A_186#0, %gather3A_198 : vector<16xf32>
    %add3A_200 = arith.constant 4 : i32
    %add3A_201 = vector.broadcast %add3A_200 : i32 to vector<16xi32>
    %add3A_202 = arith.addi %iota3A_189, %add3A_201 : vector<16xi32>
    %and3A_203 = arith.constant 15 : i32
    %and3A_204 = vector.broadcast %and3A_203 : i32 to vector<16xi32>
    %and3A_205 = arith.andi %add3A_202, %and3A_204 : vector<16xi32>
    %broadcast_in_dim3A_206 = vector.shape_cast %and3A_205 : vector<16xi32> to vector<16x1xi32>
    %gather3A_207 = vector.shape_cast %broadcast_in_dim3A_206 : vector<16x1xi32> to vector<16xi32>
    %gather3A_208 = tpu.dynamic_gather %add3A_199[%gather3A_207] in [0] : vector<16xf32>, vector<16xi32> -> vector<16xf32>
    %add3A_209 = arith.addf %add3A_199, %gather3A_208 : vector<16xf32>
    %add3A_210 = arith.constant 2 : i32
    %add3A_211 = vector.broadcast %add3A_210 : i32 to vector<16xi32>
    %add3A_212 = arith.addi %iota3A_189, %add3A_211 : vector<16xi32>
    %and3A_213 = arith.constant 15 : i32
    %and3A_214 = vector.broadcast %and3A_213 : i32 to vector<16xi32>
    %and3A_215 = arith.andi %add3A_212, %and3A_214 : vector<16xi32>
    %broadcast_in_dim3A_216 = vector.shape_cast %and3A_215 : vector<16xi32> to vector<16x1xi32>
    %gather3A_217 = vector.shape_cast %broadcast_in_dim3A_216 : vector<16x1xi32> to vector<16xi32>
    %gather3A_218 = tpu.dynamic_gather %add3A_209[%gather3A_217] in [0] : vector<16xf32>, vector<16xi32> -> vector<16xf32>
    %add3A_219 = arith.addf %add3A_209, %gather3A_218 : vector<16xf32>
    %add3A_220 = arith.constant 1 : i32
    %add3A_221 = vector.broadcast %add3A_220 : i32 to vector<16xi32>
    %add3A_222 = arith.addi %iota3A_189, %add3A_221 : vector<16xi32>
    %and3A_223 = arith.constant 15 : i32
    %and3A_224 = vector.broadcast %and3A_223 : i32 to vector<16xi32>
    %and3A_225 = arith.andi %add3A_222, %and3A_224 : vector<16xi32>
    %broadcast_in_dim3A_226 = vector.shape_cast %and3A_225 : vector<16xi32> to vector<16x1xi32>
    %gather3A_227 = vector.shape_cast %broadcast_in_dim3A_226 : vector<16x1xi32> to vector<16xi32>
    %gather3A_228 = tpu.dynamic_gather %add3A_219[%gather3A_227] in [0] : vector<16xf32>, vector<16xi32> -> vector<16xf32>
    %add3A_229 = arith.addf %add3A_219, %gather3A_228 : vector<16xf32>
    %add3A_230 = arith.addf %mul3A_188, %add3A_229 : vector<16xf32>
    %mul3A_231 = arith.mulf %scan3A_180#0, %scan3A_180#4 : vector<16xf32>
    %sub3A = arith.subf %add3A_230, %mul3A_231 : vector<16xf32>
    %div3A = arith.divf %add3A_55, %sub3A : vector<16xf32>
    %exp3A = math.exp %div3A : vector<16xf32>
    %eq3A = arith.constant 0 : i32
    %eq3A_232 = vector.broadcast %eq3A : i32 to vector<16xi32>
    %eq3A_233 = arith.cmpi eq, %iota3A, %eq3A_232 : vector<16xi32>
    %select_n3A = arith.select %eq3A_233, %exp3A, %broadcast_in_dim3A_7 : vector<16xi1>, vector<16xf32>
    %mul3A_234 = arith.mulf %get3A_4, %scan3A_180#1 : vector<16xf32>
    %iota3A_235 = tpu.iota {dimensions = array<i32: 0>} : vector<16xi32>
    %add3A_236 = arith.constant 8 : i32
    %add3A_237 = vector.broadcast %add3A_236 : i32 to vector<16xi32>
    %add3A_238 = arith.addi %iota3A_235, %add3A_237 : vector<16xi32>
    %and3A_239 = arith.constant 15 : i32
    %and3A_240 = vector.broadcast %and3A_239 : i32 to vector<16xi32>
    %and3A_241 = arith.andi %add3A_238, %and3A_240 : vector<16xi32>
    %broadcast_in_dim3A_242 = vector.shape_cast %and3A_241 : vector<16xi32> to vector<16x1xi32>
    %gather3A_243 = vector.shape_cast %broadcast_in_dim3A_242 : vector<16x1xi32> to vector<16xi32>
    %gather3A_244 = tpu.dynamic_gather %scan3A_186#1[%gather3A_243] in [0] : vector<16xf32>, vector<16xi32> -> vector<16xf32>
    %add3A_245 = arith.addf %scan3A_186#1, %gather3A_244 : vector<16xf32>
    %add3A_246 = arith.constant 4 : i32
    %add3A_247 = vector.broadcast %add3A_246 : i32 to vector<16xi32>
    %add3A_248 = arith.addi %iota3A_235, %add3A_247 : vector<16xi32>
    %and3A_249 = arith.constant 15 : i32
    %and3A_250 = vector.broadcast %and3A_249 : i32 to vector<16xi32>
    %and3A_251 = arith.andi %add3A_248, %and3A_250 : vector<16xi32>
    %broadcast_in_dim3A_252 = vector.shape_cast %and3A_251 : vector<16xi32> to vector<16x1xi32>
    %gather3A_253 = vector.shape_cast %broadcast_in_dim3A_252 : vector<16x1xi32> to vector<16xi32>
    %gather3A_254 = tpu.dynamic_gather %add3A_245[%gather3A_253] in [0] : vector<16xf32>, vector<16xi32> -> vector<16xf32>
    %add3A_255 = arith.addf %add3A_245, %gather3A_254 : vector<16xf32>
    %add3A_256 = arith.constant 2 : i32
    %add3A_257 = vector.broadcast %add3A_256 : i32 to vector<16xi32>
    %add3A_258 = arith.addi %iota3A_235, %add3A_257 : vector<16xi32>
    %and3A_259 = arith.constant 15 : i32
    %and3A_260 = vector.broadcast %and3A_259 : i32 to vector<16xi32>
    %and3A_261 = arith.andi %add3A_258, %and3A_260 : vector<16xi32>
    %broadcast_in_dim3A_262 = vector.shape_cast %and3A_261 : vector<16xi32> to vector<16x1xi32>
    %gather3A_263 = vector.shape_cast %broadcast_in_dim3A_262 : vector<16x1xi32> to vector<16xi32>
    %gather3A_264 = tpu.dynamic_gather %add3A_255[%gather3A_263] in [0] : vector<16xf32>, vector<16xi32> -> vector<16xf32>
    %add3A_265 = arith.addf %add3A_255, %gather3A_264 : vector<16xf32>
    %add3A_266 = arith.constant 1 : i32
    %add3A_267 = vector.broadcast %add3A_266 : i32 to vector<16xi32>
    %add3A_268 = arith.addi %iota3A_235, %add3A_267 : vector<16xi32>
    %and3A_269 = arith.constant 15 : i32
    %and3A_270 = vector.broadcast %and3A_269 : i32 to vector<16xi32>
    %and3A_271 = arith.andi %add3A_268, %and3A_270 : vector<16xi32>
    %broadcast_in_dim3A_272 = vector.shape_cast %and3A_271 : vector<16xi32> to vector<16x1xi32>
    %gather3A_273 = vector.shape_cast %broadcast_in_dim3A_272 : vector<16x1xi32> to vector<16xi32>
    %gather3A_274 = tpu.dynamic_gather %add3A_265[%gather3A_273] in [0] : vector<16xf32>, vector<16xi32> -> vector<16xf32>
    %add3A_275 = arith.addf %add3A_265, %gather3A_274 : vector<16xf32>
    %add3A_276 = arith.addf %mul3A_234, %add3A_275 : vector<16xf32>
    %mul3A_277 = arith.mulf %scan3A_180#1, %scan3A_180#5 : vector<16xf32>
    %sub3A_278 = arith.subf %add3A_276, %mul3A_277 : vector<16xf32>
    %div3A_279 = arith.divf %add3A_96, %sub3A_278 : vector<16xf32>
    %exp3A_280 = math.exp %div3A_279 : vector<16xf32>
    %eq3A_281 = arith.constant 1 : i32
    %eq3A_282 = vector.broadcast %eq3A_281 : i32 to vector<16xi32>
    %eq3A_283 = arith.cmpi eq, %iota3A, %eq3A_282 : vector<16xi32>
    %select_n3A_284 = arith.select %eq3A_283, %exp3A_280, %select_n3A : vector<16xi1>, vector<16xf32>
    %scan3A_285 = arith.constant 0 : i32
    %scan3A_286 = arith.constant 16 : i32
    %scan3A_287 = arith.addi %scan3A_285, %scan3A_286 : i32
    %scan3A_288 = arith.constant 1 : i32
    %scan3A_289:4 = scf.for %scan3A_570 = %scan3A_285 to %scan3A_287 step %scan3A_288 iter_args(%scan3A_571 = %broadcast_in_dim3A_7, %scan3A_572 = %broadcast_in_dim3A_7, %scan3A_573 = %broadcast_in_dim3A_7, %scan3A_574 = %broadcast_in_dim3A_7) -> (vector<16xf32>, vector<16xf32>, vector<16xf32>, vector<16xf32>)  : i32 {
      %mul3A_575 = arith.constant 128 : i32
      %mul3A_576 = arith.muli %scan3A_570, %mul3A_575 : i32
      %add3A_577 = arith.constant 0 : i32
      %add3A_578 = arith.addi %mul3A_576, %add3A_577 : i32
      %get3A_579 = arith.constant 2 : i32
      %get3A_580 = arith.index_cast %get3A_579 : i32 to index
      %get3A_581 = arith.index_cast %add3A_578 : i32 to index
      %get3A_582 = tpu.vector_load %arg5[%get3A_580, %get3A_581] {strides = array<i32>} : memref<4x2048xf32, #tpu.memory_space<vmem>>, vector<1x16xf32>,
      %get3A_583 = vector.shape_cast %get3A_582 : vector<1x16xf32> to vector<16xf32>
      %max3A_584 = arith.maximumf %scan3A_571, %get3A_583 : vector<16xf32>
      %add3A_585 = arith.addf %scan3A_573, %get3A_583 : vector<16xf32>
      %add3A_586 = arith.constant 0 : i32
      %add3A_587 = arith.addi %mul3A_576, %add3A_586 : i32
      %get3A_588 = arith.constant 3 : i32
      %get3A_589 = arith.index_cast %get3A_588 : i32 to index
      %get3A_590 = arith.index_cast %add3A_587 : i32 to index
      %get3A_591 = tpu.vector_load %arg5[%get3A_589, %get3A_590] {strides = array<i32>} : memref<4x2048xf32, #tpu.memory_space<vmem>>, vector<1x16xf32>,
      %get3A_592 = vector.shape_cast %get3A_591 : vector<1x16xf32> to vector<16xf32>
      %max3A_593 = arith.maximumf %scan3A_572, %get3A_592 : vector<16xf32>
      %add3A_594 = arith.addf %scan3A_574, %get3A_592 : vector<16xf32>
      %add3A_595 = arith.constant 16 : i32
      %add3A_596 = arith.addi %mul3A_576, %add3A_595 : i32
      %get3A_597 = arith.constant 2 : i32
      %get3A_598 = arith.index_cast %get3A_597 : i32 to index
      %get3A_599 = arith.index_cast %add3A_596 : i32 to index
      %get3A_600 = tpu.vector_load %arg5[%get3A_598, %get3A_599] {strides = array<i32>} : memref<4x2048xf32, #tpu.memory_space<vmem>>, vector<1x16xf32>,
      %get3A_601 = vector.shape_cast %get3A_600 : vector<1x16xf32> to vector<16xf32>
      %max3A_602 = arith.maximumf %max3A_584, %get3A_601 : vector<16xf32>
      %add3A_603 = arith.addf %add3A_585, %get3A_601 : vector<16xf32>
      %add3A_604 = arith.constant 16 : i32
      %add3A_605 = arith.addi %mul3A_576, %add3A_604 : i32
      %get3A_606 = arith.constant 3 : i32
      %get3A_607 = arith.index_cast %get3A_606 : i32 to index
      %get3A_608 = arith.index_cast %add3A_605 : i32 to index
      %get3A_609 = tpu.vector_load %arg5[%get3A_607, %get3A_608] {strides = array<i32>} : memref<4x2048xf32, #tpu.memory_space<vmem>>, vector<1x16xf32>,
      %get3A_610 = vector.shape_cast %get3A_609 : vector<1x16xf32> to vector<16xf32>
      %max3A_611 = arith.maximumf %max3A_593, %get3A_610 : vector<16xf32>
      %add3A_612 = arith.addf %add3A_594, %get3A_610 : vector<16xf32>
      %add3A_613 = arith.constant 32 : i32
      %add3A_614 = arith.addi %mul3A_576, %add3A_613 : i32
      %get3A_615 = arith.constant 2 : i32
      %get3A_616 = arith.index_cast %get3A_615 : i32 to index
      %get3A_617 = arith.index_cast %add3A_614 : i32 to index
      %get3A_618 = tpu.vector_load %arg5[%get3A_616, %get3A_617] {strides = array<i32>} : memref<4x2048xf32, #tpu.memory_space<vmem>>, vector<1x16xf32>,
      %get3A_619 = vector.shape_cast %get3A_618 : vector<1x16xf32> to vector<16xf32>
      %max3A_620 = arith.maximumf %max3A_602, %get3A_619 : vector<16xf32>
      %add3A_621 = arith.addf %add3A_603, %get3A_619 : vector<16xf32>
      %add3A_622 = arith.constant 32 : i32
      %add3A_623 = arith.addi %mul3A_576, %add3A_622 : i32
      %get3A_624 = arith.constant 3 : i32
      %get3A_625 = arith.index_cast %get3A_624 : i32 to index
      %get3A_626 = arith.index_cast %add3A_623 : i32 to index
      %get3A_627 = tpu.vector_load %arg5[%get3A_625, %get3A_626] {strides = array<i32>} : memref<4x2048xf32, #tpu.memory_space<vmem>>, vector<1x16xf32>,
      %get3A_628 = vector.shape_cast %get3A_627 : vector<1x16xf32> to vector<16xf32>
      %max3A_629 = arith.maximumf %max3A_611, %get3A_628 : vector<16xf32>
      %add3A_630 = arith.addf %add3A_612, %get3A_628 : vector<16xf32>
      %add3A_631 = arith.constant 48 : i32
      %add3A_632 = arith.addi %mul3A_576, %add3A_631 : i32
      %get3A_633 = arith.constant 2 : i32
      %get3A_634 = arith.index_cast %get3A_633 : i32 to index
      %get3A_635 = arith.index_cast %add3A_632 : i32 to index
      %get3A_636 = tpu.vector_load %arg5[%get3A_634, %get3A_635] {strides = array<i32>} : memref<4x2048xf32, #tpu.memory_space<vmem>>, vector<1x16xf32>,
      %get3A_637 = vector.shape_cast %get3A_636 : vector<1x16xf32> to vector<16xf32>
      %max3A_638 = arith.maximumf %max3A_620, %get3A_637 : vector<16xf32>
      %add3A_639 = arith.addf %add3A_621, %get3A_637 : vector<16xf32>
      %add3A_640 = arith.constant 48 : i32
      %add3A_641 = arith.addi %mul3A_576, %add3A_640 : i32
      %get3A_642 = arith.constant 3 : i32
      %get3A_643 = arith.index_cast %get3A_642 : i32 to index
      %get3A_644 = arith.index_cast %add3A_641 : i32 to index
      %get3A_645 = tpu.vector_load %arg5[%get3A_643, %get3A_644] {strides = array<i32>} : memref<4x2048xf32, #tpu.memory_space<vmem>>, vector<1x16xf32>,
      %get3A_646 = vector.shape_cast %get3A_645 : vector<1x16xf32> to vector<16xf32>
      %max3A_647 = arith.maximumf %max3A_629, %get3A_646 : vector<16xf32>
      %add3A_648 = arith.addf %add3A_630, %get3A_646 : vector<16xf32>
      %add3A_649 = arith.constant 64 : i32
      %add3A_650 = arith.addi %mul3A_576, %add3A_649 : i32
      %get3A_651 = arith.constant 2 : i32
      %get3A_652 = arith.index_cast %get3A_651 : i32 to index
      %get3A_653 = arith.index_cast %add3A_650 : i32 to index
      %get3A_654 = tpu.vector_load %arg5[%get3A_652, %get3A_653] {strides = array<i32>} : memref<4x2048xf32, #tpu.memory_space<vmem>>, vector<1x16xf32>,
      %get3A_655 = vector.shape_cast %get3A_654 : vector<1x16xf32> to vector<16xf32>
      %max3A_656 = arith.maximumf %max3A_638, %get3A_655 : vector<16xf32>
      %add3A_657 = arith.addf %add3A_639, %get3A_655 : vector<16xf32>
      %add3A_658 = arith.constant 64 : i32
      %add3A_659 = arith.addi %mul3A_576, %add3A_658 : i32
      %get3A_660 = arith.constant 3 : i32
      %get3A_661 = arith.index_cast %get3A_660 : i32 to index
      %get3A_662 = arith.index_cast %add3A_659 : i32 to index
      %get3A_663 = tpu.vector_load %arg5[%get3A_661, %get3A_662] {strides = array<i32>} : memref<4x2048xf32, #tpu.memory_space<vmem>>, vector<1x16xf32>,
      %get3A_664 = vector.shape_cast %get3A_663 : vector<1x16xf32> to vector<16xf32>
      %max3A_665 = arith.maximumf %max3A_647, %get3A_664 : vector<16xf32>
      %add3A_666 = arith.addf %add3A_648, %get3A_664 : vector<16xf32>
      %add3A_667 = arith.constant 80 : i32
      %add3A_668 = arith.addi %mul3A_576, %add3A_667 : i32
      %get3A_669 = arith.constant 2 : i32
      %get3A_670 = arith.index_cast %get3A_669 : i32 to index
      %get3A_671 = arith.index_cast %add3A_668 : i32 to index
      %get3A_672 = tpu.vector_load %arg5[%get3A_670, %get3A_671] {strides = array<i32>} : memref<4x2048xf32, #tpu.memory_space<vmem>>, vector<1x16xf32>,
      %get3A_673 = vector.shape_cast %get3A_672 : vector<1x16xf32> to vector<16xf32>
      %max3A_674 = arith.maximumf %max3A_656, %get3A_673 : vector<16xf32>
      %add3A_675 = arith.addf %add3A_657, %get3A_673 : vector<16xf32>
      %add3A_676 = arith.constant 80 : i32
      %add3A_677 = arith.addi %mul3A_576, %add3A_676 : i32
      %get3A_678 = arith.constant 3 : i32
      %get3A_679 = arith.index_cast %get3A_678 : i32 to index
      %get3A_680 = arith.index_cast %add3A_677 : i32 to index
      %get3A_681 = tpu.vector_load %arg5[%get3A_679, %get3A_680] {strides = array<i32>} : memref<4x2048xf32, #tpu.memory_space<vmem>>, vector<1x16xf32>,
      %get3A_682 = vector.shape_cast %get3A_681 : vector<1x16xf32> to vector<16xf32>
      %max3A_683 = arith.maximumf %max3A_665, %get3A_682 : vector<16xf32>
      %add3A_684 = arith.addf %add3A_666, %get3A_682 : vector<16xf32>
      %add3A_685 = arith.constant 96 : i32
      %add3A_686 = arith.addi %mul3A_576, %add3A_685 : i32
      %get3A_687 = arith.constant 2 : i32
      %get3A_688 = arith.index_cast %get3A_687 : i32 to index
      %get3A_689 = arith.index_cast %add3A_686 : i32 to index
      %get3A_690 = tpu.vector_load %arg5[%get3A_688, %get3A_689] {strides = array<i32>} : memref<4x2048xf32, #tpu.memory_space<vmem>>, vector<1x16xf32>,
      %get3A_691 = vector.shape_cast %get3A_690 : vector<1x16xf32> to vector<16xf32>
      %max3A_692 = arith.maximumf %max3A_674, %get3A_691 : vector<16xf32>
      %add3A_693 = arith.addf %add3A_675, %get3A_691 : vector<16xf32>
      %add3A_694 = arith.constant 96 : i32
      %add3A_695 = arith.addi %mul3A_576, %add3A_694 : i32
      %get3A_696 = arith.constant 3 : i32
      %get3A_697 = arith.index_cast %get3A_696 : i32 to index
      %get3A_698 = arith.index_cast %add3A_695 : i32 to index
      %get3A_699 = tpu.vector_load %arg5[%get3A_697, %get3A_698] {strides = array<i32>} : memref<4x2048xf32, #tpu.memory_space<vmem>>, vector<1x16xf32>,
      %get3A_700 = vector.shape_cast %get3A_699 : vector<1x16xf32> to vector<16xf32>
      %max3A_701 = arith.maximumf %max3A_683, %get3A_700 : vector<16xf32>
      %add3A_702 = arith.addf %add3A_684, %get3A_700 : vector<16xf32>
      %add3A_703 = arith.constant 112 : i32
      %add3A_704 = arith.addi %mul3A_576, %add3A_703 : i32
      %get3A_705 = arith.constant 2 : i32
      %get3A_706 = arith.index_cast %get3A_705 : i32 to index
      %get3A_707 = arith.index_cast %add3A_704 : i32 to index
      %get3A_708 = tpu.vector_load %arg5[%get3A_706, %get3A_707] {strides = array<i32>} : memref<4x2048xf32, #tpu.memory_space<vmem>>, vector<1x16xf32>,
      %get3A_709 = vector.shape_cast %get3A_708 : vector<1x16xf32> to vector<16xf32>
      %max3A_710 = arith.maximumf %max3A_692, %get3A_709 : vector<16xf32>
      %add3A_711 = arith.addf %add3A_693, %get3A_709 : vector<16xf32>
      %add3A_712 = arith.constant 112 : i32
      %add3A_713 = arith.addi %mul3A_576, %add3A_712 : i32
      %get3A_714 = arith.constant 3 : i32
      %get3A_715 = arith.index_cast %get3A_714 : i32 to index
      %get3A_716 = arith.index_cast %add3A_713 : i32 to index
      %get3A_717 = tpu.vector_load %arg5[%get3A_715, %get3A_716] {strides = array<i32>} : memref<4x2048xf32, #tpu.memory_space<vmem>>, vector<1x16xf32>,
      %get3A_718 = vector.shape_cast %get3A_717 : vector<1x16xf32> to vector<16xf32>
      %max3A_719 = arith.maximumf %max3A_701, %get3A_718 : vector<16xf32>
      %add3A_720 = arith.addf %add3A_702, %get3A_718 : vector<16xf32>
      scf.yield %max3A_710, %max3A_719, %add3A_711, %add3A_720 : vector<16xf32>, vector<16xf32>, vector<16xf32>, vector<16xf32>
    }
    %scan3A_290 = arith.constant 16 : i32
    %iota3A_291 = tpu.iota {dimensions = array<i32: 0>} : vector<16xi32>
    %add3A_292 = arith.constant 8 : i32
    %add3A_293 = vector.broadcast %add3A_292 : i32 to vector<16xi32>
    %add3A_294 = arith.addi %iota3A_291, %add3A_293 : vector<16xi32>
    %and3A_295 = arith.constant 15 : i32
    %and3A_296 = vector.broadcast %and3A_295 : i32 to vector<16xi32>
    %and3A_297 = arith.andi %add3A_294, %and3A_296 : vector<16xi32>
    %broadcast_in_dim3A_298 = vector.shape_cast %and3A_297 : vector<16xi32> to vector<16x1xi32>
    %gather3A_299 = vector.shape_cast %broadcast_in_dim3A_298 : vector<16x1xi32> to vector<16xi32>
    %gather3A_300 = tpu.dynamic_gather %scan3A_289#2[%gather3A_299] in [0] : vector<16xf32>, vector<16xi32> -> vector<16xf32>
    %add3A_301 = arith.addf %scan3A_289#2, %gather3A_300 : vector<16xf32>
    %add3A_302 = arith.constant 4 : i32
    %add3A_303 = vector.broadcast %add3A_302 : i32 to vector<16xi32>
    %add3A_304 = arith.addi %iota3A_291, %add3A_303 : vector<16xi32>
    %and3A_305 = arith.constant 15 : i32
    %and3A_306 = vector.broadcast %and3A_305 : i32 to vector<16xi32>
    %and3A_307 = arith.andi %add3A_304, %and3A_306 : vector<16xi32>
    %broadcast_in_dim3A_308 = vector.shape_cast %and3A_307 : vector<16xi32> to vector<16x1xi32>
    %gather3A_309 = vector.shape_cast %broadcast_in_dim3A_308 : vector<16x1xi32> to vector<16xi32>
    %gather3A_310 = tpu.dynamic_gather %add3A_301[%gather3A_309] in [0] : vector<16xf32>, vector<16xi32> -> vector<16xf32>
    %add3A_311 = arith.addf %add3A_301, %gather3A_310 : vector<16xf32>
    %add3A_312 = arith.constant 2 : i32
    %add3A_313 = vector.broadcast %add3A_312 : i32 to vector<16xi32>
    %add3A_314 = arith.addi %iota3A_291, %add3A_313 : vector<16xi32>
    %and3A_315 = arith.constant 15 : i32
    %and3A_316 = vector.broadcast %and3A_315 : i32 to vector<16xi32>
    %and3A_317 = arith.andi %add3A_314, %and3A_316 : vector<16xi32>
    %broadcast_in_dim3A_318 = vector.shape_cast %and3A_317 : vector<16xi32> to vector<16x1xi32>
    %gather3A_319 = vector.shape_cast %broadcast_in_dim3A_318 : vector<16x1xi32> to vector<16xi32>
    %gather3A_320 = tpu.dynamic_gather %add3A_311[%gather3A_319] in [0] : vector<16xf32>, vector<16xi32> -> vector<16xf32>
    %add3A_321 = arith.addf %add3A_311, %gather3A_320 : vector<16xf32>
    %add3A_322 = arith.constant 1 : i32
    %add3A_323 = vector.broadcast %add3A_322 : i32 to vector<16xi32>
    %add3A_324 = arith.addi %iota3A_291, %add3A_323 : vector<16xi32>
    %and3A_325 = arith.constant 15 : i32
    %and3A_326 = vector.broadcast %and3A_325 : i32 to vector<16xi32>
    %and3A_327 = arith.andi %add3A_324, %and3A_326 : vector<16xi32>
    %broadcast_in_dim3A_328 = vector.shape_cast %and3A_327 : vector<16xi32> to vector<16x1xi32>
    %gather3A_329 = vector.shape_cast %broadcast_in_dim3A_328 : vector<16x1xi32> to vector<16xi32>
    %gather3A_330 = tpu.dynamic_gather %add3A_321[%gather3A_329] in [0] : vector<16xf32>, vector<16xi32> -> vector<16xf32>
    %add3A_331 = arith.addf %add3A_321, %gather3A_330 : vector<16xf32>
    %iota3A_332 = tpu.iota {dimensions = array<i32: 0>} : vector<16xi32>
    %add3A_333 = arith.constant 8 : i32
    %add3A_334 = vector.broadcast %add3A_333 : i32 to vector<16xi32>
    %add3A_335 = arith.addi %iota3A_332, %add3A_334 : vector<16xi32>
    %and3A_336 = arith.constant 15 : i32
    %and3A_337 = vector.broadcast %and3A_336 : i32 to vector<16xi32>
    %and3A_338 = arith.andi %add3A_335, %and3A_337 : vector<16xi32>
    %broadcast_in_dim3A_339 = vector.shape_cast %and3A_338 : vector<16xi32> to vector<16x1xi32>
    %gather3A_340 = vector.shape_cast %broadcast_in_dim3A_339 : vector<16x1xi32> to vector<16xi32>
    %gather3A_341 = tpu.dynamic_gather %scan3A_289#3[%gather3A_340] in [0] : vector<16xf32>, vector<16xi32> -> vector<16xf32>
    %add3A_342 = arith.addf %scan3A_289#3, %gather3A_341 : vector<16xf32>
    %add3A_343 = arith.constant 4 : i32
    %add3A_344 = vector.broadcast %add3A_343 : i32 to vector<16xi32>
    %add3A_345 = arith.addi %iota3A_332, %add3A_344 : vector<16xi32>
    %and3A_346 = arith.constant 15 : i32
    %and3A_347 = vector.broadcast %and3A_346 : i32 to vector<16xi32>
    %and3A_348 = arith.andi %add3A_345, %and3A_347 : vector<16xi32>
    %broadcast_in_dim3A_349 = vector.shape_cast %and3A_348 : vector<16xi32> to vector<16x1xi32>
    %gather3A_350 = vector.shape_cast %broadcast_in_dim3A_349 : vector<16x1xi32> to vector<16xi32>
    %gather3A_351 = tpu.dynamic_gather %add3A_342[%gather3A_350] in [0] : vector<16xf32>, vector<16xi32> -> vector<16xf32>
    %add3A_352 = arith.addf %add3A_342, %gather3A_351 : vector<16xf32>
    %add3A_353 = arith.constant 2 : i32
    %add3A_354 = vector.broadcast %add3A_353 : i32 to vector<16xi32>
    %add3A_355 = arith.addi %iota3A_332, %add3A_354 : vector<16xi32>
    %and3A_356 = arith.constant 15 : i32
    %and3A_357 = vector.broadcast %and3A_356 : i32 to vector<16xi32>
    %and3A_358 = arith.andi %add3A_355, %and3A_357 : vector<16xi32>
    %broadcast_in_dim3A_359 = vector.shape_cast %and3A_358 : vector<16xi32> to vector<16x1xi32>
    %gather3A_360 = vector.shape_cast %broadcast_in_dim3A_359 : vector<16x1xi32> to vector<16xi32>
    %gather3A_361 = tpu.dynamic_gather %add3A_352[%gather3A_360] in [0] : vector<16xf32>, vector<16xi32> -> vector<16xf32>
    %add3A_362 = arith.addf %add3A_352, %gather3A_361 : vector<16xf32>
    %add3A_363 = arith.constant 1 : i32
    %add3A_364 = vector.broadcast %add3A_363 : i32 to vector<16xi32>
    %add3A_365 = arith.addi %iota3A_332, %add3A_364 : vector<16xi32>
    %and3A_366 = arith.constant 15 : i32
    %and3A_367 = vector.broadcast %and3A_366 : i32 to vector<16xi32>
    %and3A_368 = arith.andi %add3A_365, %and3A_367 : vector<16xi32>
    %broadcast_in_dim3A_369 = vector.shape_cast %and3A_368 : vector<16xi32> to vector<16x1xi32>
    %gather3A_370 = vector.shape_cast %broadcast_in_dim3A_369 : vector<16x1xi32> to vector<16xi32>
    %gather3A_371 = tpu.dynamic_gather %add3A_362[%gather3A_370] in [0] : vector<16xf32>, vector<16xi32> -> vector<16xf32>
    %add3A_372 = arith.addf %add3A_362, %gather3A_371 : vector<16xf32>
    %add3A_373 = arith.constant 8 : i32
    %add3A_374 = vector.broadcast %add3A_373 : i32 to vector<16xi32>
    %add3A_375 = arith.addi %iota3A, %add3A_374 : vector<16xi32>
    %and3A_376 = arith.constant 15 : i32
    %and3A_377 = vector.broadcast %and3A_376 : i32 to vector<16xi32>
    %and3A_378 = arith.andi %add3A_375, %and3A_377 : vector<16xi32>
    %broadcast_in_dim3A_379 = vector.shape_cast %and3A_378 : vector<16xi32> to vector<16x1xi32>
    %gather3A_380 = vector.shape_cast %broadcast_in_dim3A_379 : vector<16x1xi32> to vector<16xi32>
    %gather3A_381 = tpu.dynamic_gather %scan3A_289#0[%gather3A_380] in [0] : vector<16xf32>, vector<16xi32> -> vector<16xf32>
    %max3A_382 = arith.maximumf %scan3A_289#0, %gather3A_381 : vector<16xf32>
    %add3A_383 = arith.constant 4 : i32
    %add3A_384 = vector.broadcast %add3A_383 : i32 to vector<16xi32>
    %add3A_385 = arith.addi %iota3A, %add3A_384 : vector<16xi32>
    %and3A_386 = arith.constant 15 : i32
    %and3A_387 = vector.broadcast %and3A_386 : i32 to vector<16xi32>
    %and3A_388 = arith.andi %add3A_385, %and3A_387 : vector<16xi32>
    %broadcast_in_dim3A_389 = vector.shape_cast %and3A_388 : vector<16xi32> to vector<16x1xi32>
    %gather3A_390 = vector.shape_cast %broadcast_in_dim3A_389 : vector<16x1xi32> to vector<16xi32>
    %gather3A_391 = tpu.dynamic_gather %max3A_382[%gather3A_390] in [0] : vector<16xf32>, vector<16xi32> -> vector<16xf32>
    %max3A_392 = arith.maximumf %max3A_382, %gather3A_391 : vector<16xf32>
    %add3A_393 = arith.constant 2 : i32
    %add3A_394 = vector.broadcast %add3A_393 : i32 to vector<16xi32>
    %add3A_395 = arith.addi %iota3A, %add3A_394 : vector<16xi32>
    %and3A_396 = arith.constant 15 : i32
    %and3A_397 = vector.broadcast %and3A_396 : i32 to vector<16xi32>
    %and3A_398 = arith.andi %add3A_395, %and3A_397 : vector<16xi32>
    %broadcast_in_dim3A_399 = vector.shape_cast %and3A_398 : vector<16xi32> to vector<16x1xi32>
    %gather3A_400 = vector.shape_cast %broadcast_in_dim3A_399 : vector<16x1xi32> to vector<16xi32>
    %gather3A_401 = tpu.dynamic_gather %max3A_392[%gather3A_400] in [0] : vector<16xf32>, vector<16xi32> -> vector<16xf32>
    %max3A_402 = arith.maximumf %max3A_392, %gather3A_401 : vector<16xf32>
    %add3A_403 = arith.constant 1 : i32
    %add3A_404 = vector.broadcast %add3A_403 : i32 to vector<16xi32>
    %add3A_405 = arith.addi %iota3A, %add3A_404 : vector<16xi32>
    %and3A_406 = arith.constant 15 : i32
    %and3A_407 = vector.broadcast %and3A_406 : i32 to vector<16xi32>
    %and3A_408 = arith.andi %add3A_405, %and3A_407 : vector<16xi32>
    %broadcast_in_dim3A_409 = vector.shape_cast %and3A_408 : vector<16xi32> to vector<16x1xi32>
    %gather3A_410 = vector.shape_cast %broadcast_in_dim3A_409 : vector<16x1xi32> to vector<16xi32>
    %gather3A_411 = tpu.dynamic_gather %max3A_402[%gather3A_410] in [0] : vector<16xf32>, vector<16xi32> -> vector<16xf32>
    %max3A_412 = arith.maximumf %max3A_402, %gather3A_411 : vector<16xf32>
    %add3A_413 = arith.constant 8 : i32
    %add3A_414 = vector.broadcast %add3A_413 : i32 to vector<16xi32>
    %add3A_415 = arith.addi %iota3A, %add3A_414 : vector<16xi32>
    %and3A_416 = arith.constant 15 : i32
    %and3A_417 = vector.broadcast %and3A_416 : i32 to vector<16xi32>
    %and3A_418 = arith.andi %add3A_415, %and3A_417 : vector<16xi32>
    %broadcast_in_dim3A_419 = vector.shape_cast %and3A_418 : vector<16xi32> to vector<16x1xi32>
    %gather3A_420 = vector.shape_cast %broadcast_in_dim3A_419 : vector<16x1xi32> to vector<16xi32>
    %gather3A_421 = tpu.dynamic_gather %scan3A_289#1[%gather3A_420] in [0] : vector<16xf32>, vector<16xi32> -> vector<16xf32>
    %max3A_422 = arith.maximumf %scan3A_289#1, %gather3A_421 : vector<16xf32>
    %add3A_423 = arith.constant 4 : i32
    %add3A_424 = vector.broadcast %add3A_423 : i32 to vector<16xi32>
    %add3A_425 = arith.addi %iota3A, %add3A_424 : vector<16xi32>
    %and3A_426 = arith.constant 15 : i32
    %and3A_427 = vector.broadcast %and3A_426 : i32 to vector<16xi32>
    %and3A_428 = arith.andi %add3A_425, %and3A_427 : vector<16xi32>
    %broadcast_in_dim3A_429 = vector.shape_cast %and3A_428 : vector<16xi32> to vector<16x1xi32>
    %gather3A_430 = vector.shape_cast %broadcast_in_dim3A_429 : vector<16x1xi32> to vector<16xi32>
    %gather3A_431 = tpu.dynamic_gather %max3A_422[%gather3A_430] in [0] : vector<16xf32>, vector<16xi32> -> vector<16xf32>
    %max3A_432 = arith.maximumf %max3A_422, %gather3A_431 : vector<16xf32>
    %add3A_433 = arith.constant 2 : i32
    %add3A_434 = vector.broadcast %add3A_433 : i32 to vector<16xi32>
    %add3A_435 = arith.addi %iota3A, %add3A_434 : vector<16xi32>
    %and3A_436 = arith.constant 15 : i32
    %and3A_437 = vector.broadcast %and3A_436 : i32 to vector<16xi32>
    %and3A_438 = arith.andi %add3A_435, %and3A_437 : vector<16xi32>
    %broadcast_in_dim3A_439 = vector.shape_cast %and3A_438 : vector<16xi32> to vector<16x1xi32>
    %gather3A_440 = vector.shape_cast %broadcast_in_dim3A_439 : vector<16x1xi32> to vector<16xi32>
    %gather3A_441 = tpu.dynamic_gather %max3A_432[%gather3A_440] in [0] : vector<16xf32>, vector<16xi32> -> vector<16xf32>
    %max3A_442 = arith.maximumf %max3A_432, %gather3A_441 : vector<16xf32>
    %add3A_443 = arith.constant 1 : i32
    %add3A_444 = vector.broadcast %add3A_443 : i32 to vector<16xi32>
    %add3A_445 = arith.addi %iota3A, %add3A_444 : vector<16xi32>
    %and3A_446 = arith.constant 15 : i32
    %and3A_447 = vector.broadcast %and3A_446 : i32 to vector<16xi32>
    %and3A_448 = arith.andi %add3A_445, %and3A_447 : vector<16xi32>
    %broadcast_in_dim3A_449 = vector.shape_cast %and3A_448 : vector<16xi32> to vector<16x1xi32>
    %gather3A_450 = vector.shape_cast %broadcast_in_dim3A_449 : vector<16x1xi32> to vector<16xi32>
    %gather3A_451 = tpu.dynamic_gather %max3A_442[%gather3A_450] in [0] : vector<16xf32>, vector<16xi32> -> vector<16xf32>
    %max3A_452 = arith.maximumf %max3A_442, %gather3A_451 : vector<16xf32>
    %scan3A_453 = arith.constant 0 : i32
    %scan3A_454 = arith.constant 14 : i32
    %scan3A_455 = arith.addi %scan3A_453, %scan3A_454 : i32
    %scan3A_456 = arith.constant 1 : i32
    %scan3A_457:6 = scf.for %scan3A_570 = %scan3A_453 to %scan3A_455 step %scan3A_456 iter_args(%scan3A_571 = %broadcast_in_dim3A_7, %scan3A_572 = %broadcast_in_dim3A_7, %scan3A_573 = %max3A_412, %scan3A_574 = %max3A_452, %scan3A_575 = %broadcast_in_dim3A_11, %scan3A_576 = %broadcast_in_dim3A_11) -> (vector<16xf32>, vector<16xf32>, vector<16xf32>, vector<16xf32>, vector<16xf32>, vector<16xf32>)  : i32 {
      %add3A_577 = arith.addf %scan3A_571, %scan3A_573 : vector<16xf32>
      %mul3A_578 = arith.mulf %add3A_577, %broadcast_in_dim3A_9 : vector<16xf32>
      %add3A_579 = arith.addf %scan3A_572, %scan3A_574 : vector<16xf32>
      %mul3A_580 = arith.mulf %add3A_579, %broadcast_in_dim3A_9 : vector<16xf32>
      %scan3A_581 = arith.constant 0 : i32
      %scan3A_582 = arith.constant 16 : i32
      %scan3A_583 = arith.addi %scan3A_581, %scan3A_582 : i32
      %scan3A_584 = arith.constant 1 : i32
      %scan3A_585:4 = scf.for %scan3A_678 = %scan3A_581 to %scan3A_583 step %scan3A_584 iter_args(%scan3A_679 = %broadcast_in_dim3A_7, %scan3A_680 = %broadcast_in_dim3A_7, %scan3A_681 = %broadcast_in_dim3A_7, %scan3A_682 = %broadcast_in_dim3A_7) -> (vector<16xf32>, vector<16xf32>, vector<16xf32>, vector<16xf32>)  : i32 {
        %mul3A_683 = arith.constant 128 : i32
        %mul3A_684 = arith.muli %scan3A_678, %mul3A_683 : i32
        %add3A_685 = arith.constant 0 : i32
        %add3A_686 = arith.addi %mul3A_684, %add3A_685 : i32
        %get3A_687 = arith.constant 2 : i32
        %get3A_688 = arith.index_cast %get3A_687 : i32 to index
        %get3A_689 = arith.index_cast %add3A_686 : i32 to index
        %get3A_690 = tpu.vector_load %arg5[%get3A_688, %get3A_689] {strides = array<i32>} : memref<4x2048xf32, #tpu.memory_space<vmem>>, vector<1x16xf32>,
        %get3A_691 = vector.shape_cast %get3A_690 : vector<1x16xf32> to vector<16xf32>
        %ge3A_692 = arith.cmpf oge, %get3A_691, %mul3A_578 : vector<16xf32>
        %select_n3A_693 = arith.select %ge3A_692, %broadcast_in_dim3A_5, %broadcast_in_dim3A_7 : vector<16xi1>, vector<16xf32>
        %add3A_694 = arith.addf %scan3A_679, %select_n3A_693 : vector<16xf32>
        %add3A_695 = arith.constant 0 : i32
        %add3A_696 = arith.addi %mul3A_684, %add3A_695 : i32
        %get3A_697 = arith.constant 3 : i32
        %get3A_698 = arith.index_cast %get3A_697 : i32 to index
        %get3A_699 = arith.index_cast %add3A_696 : i32 to index
        %get3A_700 = tpu.vector_load %arg5[%get3A_698, %get3A_699] {strides = array<i32>} : memref<4x2048xf32, #tpu.memory_space<vmem>>, vector<1x16xf32>,
        %get3A_701 = vector.shape_cast %get3A_700 : vector<1x16xf32> to vector<16xf32>
        %ge3A_702 = arith.cmpf oge, %get3A_701, %mul3A_580 : vector<16xf32>
        %select_n3A_703 = arith.select %ge3A_702, %broadcast_in_dim3A_5, %broadcast_in_dim3A_7 : vector<16xi1>, vector<16xf32>
        %add3A_704 = arith.addf %scan3A_680, %select_n3A_703 : vector<16xf32>
        %add3A_705 = arith.constant 16 : i32
        %add3A_706 = arith.addi %mul3A_684, %add3A_705 : i32
        %get3A_707 = arith.constant 2 : i32
        %get3A_708 = arith.index_cast %get3A_707 : i32 to index
        %get3A_709 = arith.index_cast %add3A_706 : i32 to index
        %get3A_710 = tpu.vector_load %arg5[%get3A_708, %get3A_709] {strides = array<i32>} : memref<4x2048xf32, #tpu.memory_space<vmem>>, vector<1x16xf32>,
        %get3A_711 = vector.shape_cast %get3A_710 : vector<1x16xf32> to vector<16xf32>
        %ge3A_712 = arith.cmpf oge, %get3A_711, %mul3A_578 : vector<16xf32>
        %select_n3A_713 = arith.select %ge3A_712, %broadcast_in_dim3A_5, %broadcast_in_dim3A_7 : vector<16xi1>, vector<16xf32>
        %add3A_714 = arith.addf %scan3A_681, %select_n3A_713 : vector<16xf32>
        %add3A_715 = arith.constant 16 : i32
        %add3A_716 = arith.addi %mul3A_684, %add3A_715 : i32
        %get3A_717 = arith.constant 3 : i32
        %get3A_718 = arith.index_cast %get3A_717 : i32 to index
        %get3A_719 = arith.index_cast %add3A_716 : i32 to index
        %get3A_720 = tpu.vector_load %arg5[%get3A_718, %get3A_719] {strides = array<i32>} : memref<4x2048xf32, #tpu.memory_space<vmem>>, vector<1x16xf32>,
        %get3A_721 = vector.shape_cast %get3A_720 : vector<1x16xf32> to vector<16xf32>
        %ge3A_722 = arith.cmpf oge, %get3A_721, %mul3A_580 : vector<16xf32>
        %select_n3A_723 = arith.select %ge3A_722, %broadcast_in_dim3A_5, %broadcast_in_dim3A_7 : vector<16xi1>, vector<16xf32>
        %add3A_724 = arith.addf %scan3A_682, %select_n3A_723 : vector<16xf32>
        %add3A_725 = arith.constant 32 : i32
        %add3A_726 = arith.addi %mul3A_684, %add3A_725 : i32
        %get3A_727 = arith.constant 2 : i32
        %get3A_728 = arith.index_cast %get3A_727 : i32 to index
        %get3A_729 = arith.index_cast %add3A_726 : i32 to index
        %get3A_730 = tpu.vector_load %arg5[%get3A_728, %get3A_729] {strides = array<i32>} : memref<4x2048xf32, #tpu.memory_space<vmem>>, vector<1x16xf32>,
        %get3A_731 = vector.shape_cast %get3A_730 : vector<1x16xf32> to vector<16xf32>
        %ge3A_732 = arith.cmpf oge, %get3A_731, %mul3A_578 : vector<16xf32>
        %select_n3A_733 = arith.select %ge3A_732, %broadcast_in_dim3A_5, %broadcast_in_dim3A_7 : vector<16xi1>, vector<16xf32>
        %add3A_734 = arith.addf %add3A_694, %select_n3A_733 : vector<16xf32>
        %add3A_735 = arith.constant 32 : i32
        %add3A_736 = arith.addi %mul3A_684, %add3A_735 : i32
        %get3A_737 = arith.constant 3 : i32
        %get3A_738 = arith.index_cast %get3A_737 : i32 to index
        %get3A_739 = arith.index_cast %add3A_736 : i32 to index
        %get3A_740 = tpu.vector_load %arg5[%get3A_738, %get3A_739] {strides = array<i32>} : memref<4x2048xf32, #tpu.memory_space<vmem>>, vector<1x16xf32>,
        %get3A_741 = vector.shape_cast %get3A_740 : vector<1x16xf32> to vector<16xf32>
        %ge3A_742 = arith.cmpf oge, %get3A_741, %mul3A_580 : vector<16xf32>
        %select_n3A_743 = arith.select %ge3A_742, %broadcast_in_dim3A_5, %broadcast_in_dim3A_7 : vector<16xi1>, vector<16xf32>
        %add3A_744 = arith.addf %add3A_704, %select_n3A_743 : vector<16xf32>
        %add3A_745 = arith.constant 48 : i32
        %add3A_746 = arith.addi %mul3A_684, %add3A_745 : i32
        %get3A_747 = arith.constant 2 : i32
        %get3A_748 = arith.index_cast %get3A_747 : i32 to index
        %get3A_749 = arith.index_cast %add3A_746 : i32 to index
        %get3A_750 = tpu.vector_load %arg5[%get3A_748, %get3A_749] {strides = array<i32>} : memref<4x2048xf32, #tpu.memory_space<vmem>>, vector<1x16xf32>,
        %get3A_751 = vector.shape_cast %get3A_750 : vector<1x16xf32> to vector<16xf32>
        %ge3A_752 = arith.cmpf oge, %get3A_751, %mul3A_578 : vector<16xf32>
        %select_n3A_753 = arith.select %ge3A_752, %broadcast_in_dim3A_5, %broadcast_in_dim3A_7 : vector<16xi1>, vector<16xf32>
        %add3A_754 = arith.addf %add3A_714, %select_n3A_753 : vector<16xf32>
        %add3A_755 = arith.constant 48 : i32
        %add3A_756 = arith.addi %mul3A_684, %add3A_755 : i32
        %get3A_757 = arith.constant 3 : i32
        %get3A_758 = arith.index_cast %get3A_757 : i32 to index
        %get3A_759 = arith.index_cast %add3A_756 : i32 to index
        %get3A_760 = tpu.vector_load %arg5[%get3A_758, %get3A_759] {strides = array<i32>} : memref<4x2048xf32, #tpu.memory_space<vmem>>, vector<1x16xf32>,
        %get3A_761 = vector.shape_cast %get3A_760 : vector<1x16xf32> to vector<16xf32>
        %ge3A_762 = arith.cmpf oge, %get3A_761, %mul3A_580 : vector<16xf32>
        %select_n3A_763 = arith.select %ge3A_762, %broadcast_in_dim3A_5, %broadcast_in_dim3A_7 : vector<16xi1>, vector<16xf32>
        %add3A_764 = arith.addf %add3A_724, %select_n3A_763 : vector<16xf32>
        %add3A_765 = arith.constant 64 : i32
        %add3A_766 = arith.addi %mul3A_684, %add3A_765 : i32
        %get3A_767 = arith.constant 2 : i32
        %get3A_768 = arith.index_cast %get3A_767 : i32 to index
        %get3A_769 = arith.index_cast %add3A_766 : i32 to index
        %get3A_770 = tpu.vector_load %arg5[%get3A_768, %get3A_769] {strides = array<i32>} : memref<4x2048xf32, #tpu.memory_space<vmem>>, vector<1x16xf32>,
        %get3A_771 = vector.shape_cast %get3A_770 : vector<1x16xf32> to vector<16xf32>
        %ge3A_772 = arith.cmpf oge, %get3A_771, %mul3A_578 : vector<16xf32>
        %select_n3A_773 = arith.select %ge3A_772, %broadcast_in_dim3A_5, %broadcast_in_dim3A_7 : vector<16xi1>, vector<16xf32>
        %add3A_774 = arith.addf %add3A_734, %select_n3A_773 : vector<16xf32>
        %add3A_775 = arith.constant 64 : i32
        %add3A_776 = arith.addi %mul3A_684, %add3A_775 : i32
        %get3A_777 = arith.constant 3 : i32
        %get3A_778 = arith.index_cast %get3A_777 : i32 to index
        %get3A_779 = arith.index_cast %add3A_776 : i32 to index
        %get3A_780 = tpu.vector_load %arg5[%get3A_778, %get3A_779] {strides = array<i32>} : memref<4x2048xf32, #tpu.memory_space<vmem>>, vector<1x16xf32>,
        %get3A_781 = vector.shape_cast %get3A_780 : vector<1x16xf32> to vector<16xf32>
        %ge3A_782 = arith.cmpf oge, %get3A_781, %mul3A_580 : vector<16xf32>
        %select_n3A_783 = arith.select %ge3A_782, %broadcast_in_dim3A_5, %broadcast_in_dim3A_7 : vector<16xi1>, vector<16xf32>
        %add3A_784 = arith.addf %add3A_744, %select_n3A_783 : vector<16xf32>
        %add3A_785 = arith.constant 80 : i32
        %add3A_786 = arith.addi %mul3A_684, %add3A_785 : i32
        %get3A_787 = arith.constant 2 : i32
        %get3A_788 = arith.index_cast %get3A_787 : i32 to index
        %get3A_789 = arith.index_cast %add3A_786 : i32 to index
        %get3A_790 = tpu.vector_load %arg5[%get3A_788, %get3A_789] {strides = array<i32>} : memref<4x2048xf32, #tpu.memory_space<vmem>>, vector<1x16xf32>,
        %get3A_791 = vector.shape_cast %get3A_790 : vector<1x16xf32> to vector<16xf32>
        %ge3A_792 = arith.cmpf oge, %get3A_791, %mul3A_578 : vector<16xf32>
        %select_n3A_793 = arith.select %ge3A_792, %broadcast_in_dim3A_5, %broadcast_in_dim3A_7 : vector<16xi1>, vector<16xf32>
        %add3A_794 = arith.addf %add3A_754, %select_n3A_793 : vector<16xf32>
        %add3A_795 = arith.constant 80 : i32
        %add3A_796 = arith.addi %mul3A_684, %add3A_795 : i32
        %get3A_797 = arith.constant 3 : i32
        %get3A_798 = arith.index_cast %get3A_797 : i32 to index
        %get3A_799 = arith.index_cast %add3A_796 : i32 to index
        %get3A_800 = tpu.vector_load %arg5[%get3A_798, %get3A_799] {strides = array<i32>} : memref<4x2048xf32, #tpu.memory_space<vmem>>, vector<1x16xf32>,
        %get3A_801 = vector.shape_cast %get3A_800 : vector<1x16xf32> to vector<16xf32>
        %ge3A_802 = arith.cmpf oge, %get3A_801, %mul3A_580 : vector<16xf32>
        %select_n3A_803 = arith.select %ge3A_802, %broadcast_in_dim3A_5, %broadcast_in_dim3A_7 : vector<16xi1>, vector<16xf32>
        %add3A_804 = arith.addf %add3A_764, %select_n3A_803 : vector<16xf32>
        %add3A_805 = arith.constant 96 : i32
        %add3A_806 = arith.addi %mul3A_684, %add3A_805 : i32
        %get3A_807 = arith.constant 2 : i32
        %get3A_808 = arith.index_cast %get3A_807 : i32 to index
        %get3A_809 = arith.index_cast %add3A_806 : i32 to index
        %get3A_810 = tpu.vector_load %arg5[%get3A_808, %get3A_809] {strides = array<i32>} : memref<4x2048xf32, #tpu.memory_space<vmem>>, vector<1x16xf32>,
        %get3A_811 = vector.shape_cast %get3A_810 : vector<1x16xf32> to vector<16xf32>
        %ge3A_812 = arith.cmpf oge, %get3A_811, %mul3A_578 : vector<16xf32>
        %select_n3A_813 = arith.select %ge3A_812, %broadcast_in_dim3A_5, %broadcast_in_dim3A_7 : vector<16xi1>, vector<16xf32>
        %add3A_814 = arith.addf %add3A_774, %select_n3A_813 : vector<16xf32>
        %add3A_815 = arith.constant 96 : i32
        %add3A_816 = arith.addi %mul3A_684, %add3A_815 : i32
        %get3A_817 = arith.constant 3 : i32
        %get3A_818 = arith.index_cast %get3A_817 : i32 to index
        %get3A_819 = arith.index_cast %add3A_816 : i32 to index
        %get3A_820 = tpu.vector_load %arg5[%get3A_818, %get3A_819] {strides = array<i32>} : memref<4x2048xf32, #tpu.memory_space<vmem>>, vector<1x16xf32>,
        %get3A_821 = vector.shape_cast %get3A_820 : vector<1x16xf32> to vector<16xf32>
        %ge3A_822 = arith.cmpf oge, %get3A_821, %mul3A_580 : vector<16xf32>
        %select_n3A_823 = arith.select %ge3A_822, %broadcast_in_dim3A_5, %broadcast_in_dim3A_7 : vector<16xi1>, vector<16xf32>
        %add3A_824 = arith.addf %add3A_784, %select_n3A_823 : vector<16xf32>
        %add3A_825 = arith.constant 112 : i32
        %add3A_826 = arith.addi %mul3A_684, %add3A_825 : i32
        %get3A_827 = arith.constant 2 : i32
        %get3A_828 = arith.index_cast %get3A_827 : i32 to index
        %get3A_829 = arith.index_cast %add3A_826 : i32 to index
        %get3A_830 = tpu.vector_load %arg5[%get3A_828, %get3A_829] {strides = array<i32>} : memref<4x2048xf32, #tpu.memory_space<vmem>>, vector<1x16xf32>,
        %get3A_831 = vector.shape_cast %get3A_830 : vector<1x16xf32> to vector<16xf32>
        %ge3A_832 = arith.cmpf oge, %get3A_831, %mul3A_578 : vector<16xf32>
        %select_n3A_833 = arith.select %ge3A_832, %broadcast_in_dim3A_5, %broadcast_in_dim3A_7 : vector<16xi1>, vector<16xf32>
        %add3A_834 = arith.addf %add3A_794, %select_n3A_833 : vector<16xf32>
        %add3A_835 = arith.constant 112 : i32
        %add3A_836 = arith.addi %mul3A_684, %add3A_835 : i32
        %get3A_837 = arith.constant 3 : i32
        %get3A_838 = arith.index_cast %get3A_837 : i32 to index
        %get3A_839 = arith.index_cast %add3A_836 : i32 to index
        %get3A_840 = tpu.vector_load %arg5[%get3A_838, %get3A_839] {strides = array<i32>} : memref<4x2048xf32, #tpu.memory_space<vmem>>, vector<1x16xf32>,
        %get3A_841 = vector.shape_cast %get3A_840 : vector<1x16xf32> to vector<16xf32>
        %ge3A_842 = arith.cmpf oge, %get3A_841, %mul3A_580 : vector<16xf32>
        %select_n3A_843 = arith.select %ge3A_842, %broadcast_in_dim3A_5, %broadcast_in_dim3A_7 : vector<16xi1>, vector<16xf32>
        %add3A_844 = arith.addf %add3A_804, %select_n3A_843 : vector<16xf32>
        scf.yield %add3A_814, %add3A_824, %add3A_834, %add3A_844 : vector<16xf32>, vector<16xf32>, vector<16xf32>, vector<16xf32>
      }
      %scan3A_586 = arith.constant 16 : i32
      %add3A_587 = arith.addf %scan3A_585#0, %scan3A_585#2 : vector<16xf32>
      %iota3A_588 = tpu.iota {dimensions = array<i32: 0>} : vector<16xi32>
      %add3A_589 = arith.constant 8 : i32
      %add3A_590 = vector.broadcast %add3A_589 : i32 to vector<16xi32>
      %add3A_591 = arith.addi %iota3A_588, %add3A_590 : vector<16xi32>
      %and3A_592 = arith.constant 15 : i32
      %and3A_593 = vector.broadcast %and3A_592 : i32 to vector<16xi32>
      %and3A_594 = arith.andi %add3A_591, %and3A_593 : vector<16xi32>
      %broadcast_in_dim3A_595 = vector.shape_cast %and3A_594 : vector<16xi32> to vector<16x1xi32>
      %gather3A_596 = vector.shape_cast %broadcast_in_dim3A_595 : vector<16x1xi32> to vector<16xi32>
      %gather3A_597 = tpu.dynamic_gather %add3A_587[%gather3A_596] in [0] : vector<16xf32>, vector<16xi32> -> vector<16xf32>
      %add3A_598 = arith.addf %add3A_587, %gather3A_597 : vector<16xf32>
      %add3A_599 = arith.constant 4 : i32
      %add3A_600 = vector.broadcast %add3A_599 : i32 to vector<16xi32>
      %add3A_601 = arith.addi %iota3A_588, %add3A_600 : vector<16xi32>
      %and3A_602 = arith.constant 15 : i32
      %and3A_603 = vector.broadcast %and3A_602 : i32 to vector<16xi32>
      %and3A_604 = arith.andi %add3A_601, %and3A_603 : vector<16xi32>
      %broadcast_in_dim3A_605 = vector.shape_cast %and3A_604 : vector<16xi32> to vector<16x1xi32>
      %gather3A_606 = vector.shape_cast %broadcast_in_dim3A_605 : vector<16x1xi32> to vector<16xi32>
      %gather3A_607 = tpu.dynamic_gather %add3A_598[%gather3A_606] in [0] : vector<16xf32>, vector<16xi32> -> vector<16xf32>
      %add3A_608 = arith.addf %add3A_598, %gather3A_607 : vector<16xf32>
      %add3A_609 = arith.constant 2 : i32
      %add3A_610 = vector.broadcast %add3A_609 : i32 to vector<16xi32>
      %add3A_611 = arith.addi %iota3A_588, %add3A_610 : vector<16xi32>
      %and3A_612 = arith.constant 15 : i32
      %and3A_613 = vector.broadcast %and3A_612 : i32 to vector<16xi32>
      %and3A_614 = arith.andi %add3A_611, %and3A_613 : vector<16xi32>
      %broadcast_in_dim3A_615 = vector.shape_cast %and3A_614 : vector<16xi32> to vector<16x1xi32>
      %gather3A_616 = vector.shape_cast %broadcast_in_dim3A_615 : vector<16x1xi32> to vector<16xi32>
      %gather3A_617 = tpu.dynamic_gather %add3A_608[%gather3A_616] in [0] : vector<16xf32>, vector<16xi32> -> vector<16xf32>
      %add3A_618 = arith.addf %add3A_608, %gather3A_617 : vector<16xf32>
      %add3A_619 = arith.constant 1 : i32
      %add3A_620 = vector.broadcast %add3A_619 : i32 to vector<16xi32>
      %add3A_621 = arith.addi %iota3A_588, %add3A_620 : vector<16xi32>
      %and3A_622 = arith.constant 15 : i32
      %and3A_623 = vector.broadcast %and3A_622 : i32 to vector<16xi32>
      %and3A_624 = arith.andi %add3A_621, %and3A_623 : vector<16xi32>
      %broadcast_in_dim3A_625 = vector.shape_cast %and3A_624 : vector<16xi32> to vector<16x1xi32>
      %gather3A_626 = vector.shape_cast %broadcast_in_dim3A_625 : vector<16x1xi32> to vector<16xi32>
      %gather3A_627 = tpu.dynamic_gather %add3A_618[%gather3A_626] in [0] : vector<16xf32>, vector<16xi32> -> vector<16xf32>
      %add3A_628 = arith.addf %add3A_618, %gather3A_627 : vector<16xf32>
      %ge3A = arith.cmpf oge, %add3A_628, %get3A_4 : vector<16xf32>
      %select_n3A_629 = arith.select %ge3A, %mul3A_578, %scan3A_571 : vector<16xi1>, vector<16xf32>
      %select_n3A_630 = arith.select %ge3A, %scan3A_573, %mul3A_578 : vector<16xi1>, vector<16xf32>
      %select_n3A_631 = arith.select %ge3A, %add3A_628, %scan3A_575 : vector<16xi1>, vector<16xf32>
      %add3A_632 = arith.addf %scan3A_585#1, %scan3A_585#3 : vector<16xf32>
      %iota3A_633 = tpu.iota {dimensions = array<i32: 0>} : vector<16xi32>
      %add3A_634 = arith.constant 8 : i32
      %add3A_635 = vector.broadcast %add3A_634 : i32 to vector<16xi32>
      %add3A_636 = arith.addi %iota3A_633, %add3A_635 : vector<16xi32>
      %and3A_637 = arith.constant 15 : i32
      %and3A_638 = vector.broadcast %and3A_637 : i32 to vector<16xi32>
      %and3A_639 = arith.andi %add3A_636, %and3A_638 : vector<16xi32>
      %broadcast_in_dim3A_640 = vector.shape_cast %and3A_639 : vector<16xi32> to vector<16x1xi32>
      %gather3A_641 = vector.shape_cast %broadcast_in_dim3A_640 : vector<16x1xi32> to vector<16xi32>
      %gather3A_642 = tpu.dynamic_gather %add3A_632[%gather3A_641] in [0] : vector<16xf32>, vector<16xi32> -> vector<16xf32>
      %add3A_643 = arith.addf %add3A_632, %gather3A_642 : vector<16xf32>
      %add3A_644 = arith.constant 4 : i32
      %add3A_645 = vector.broadcast %add3A_644 : i32 to vector<16xi32>
      %add3A_646 = arith.addi %iota3A_633, %add3A_645 : vector<16xi32>
      %and3A_647 = arith.constant 15 : i32
      %and3A_648 = vector.broadcast %and3A_647 : i32 to vector<16xi32>
      %and3A_649 = arith.andi %add3A_646, %and3A_648 : vector<16xi32>
      %broadcast_in_dim3A_650 = vector.shape_cast %and3A_649 : vector<16xi32> to vector<16x1xi32>
      %gather3A_651 = vector.shape_cast %broadcast_in_dim3A_650 : vector<16x1xi32> to vector<16xi32>
      %gather3A_652 = tpu.dynamic_gather %add3A_643[%gather3A_651] in [0] : vector<16xf32>, vector<16xi32> -> vector<16xf32>
      %add3A_653 = arith.addf %add3A_643, %gather3A_652 : vector<16xf32>
      %add3A_654 = arith.constant 2 : i32
      %add3A_655 = vector.broadcast %add3A_654 : i32 to vector<16xi32>
      %add3A_656 = arith.addi %iota3A_633, %add3A_655 : vector<16xi32>
      %and3A_657 = arith.constant 15 : i32
      %and3A_658 = vector.broadcast %and3A_657 : i32 to vector<16xi32>
      %and3A_659 = arith.andi %add3A_656, %and3A_658 : vector<16xi32>
      %broadcast_in_dim3A_660 = vector.shape_cast %and3A_659 : vector<16xi32> to vector<16x1xi32>
      %gather3A_661 = vector.shape_cast %broadcast_in_dim3A_660 : vector<16x1xi32> to vector<16xi32>
      %gather3A_662 = tpu.dynamic_gather %add3A_653[%gather3A_661] in [0] : vector<16xf32>, vector<16xi32> -> vector<16xf32>
      %add3A_663 = arith.addf %add3A_653, %gather3A_662 : vector<16xf32>
      %add3A_664 = arith.constant 1 : i32
      %add3A_665 = vector.broadcast %add3A_664 : i32 to vector<16xi32>
      %add3A_666 = arith.addi %iota3A_633, %add3A_665 : vector<16xi32>
      %and3A_667 = arith.constant 15 : i32
      %and3A_668 = vector.broadcast %and3A_667 : i32 to vector<16xi32>
      %and3A_669 = arith.andi %add3A_666, %and3A_668 : vector<16xi32>
      %broadcast_in_dim3A_670 = vector.shape_cast %and3A_669 : vector<16xi32> to vector<16x1xi32>
      %gather3A_671 = vector.shape_cast %broadcast_in_dim3A_670 : vector<16x1xi32> to vector<16xi32>
      %gather3A_672 = tpu.dynamic_gather %add3A_663[%gather3A_671] in [0] : vector<16xf32>, vector<16xi32> -> vector<16xf32>
      %add3A_673 = arith.addf %add3A_663, %gather3A_672 : vector<16xf32>
      %ge3A_674 = arith.cmpf oge, %add3A_673, %get3A_4 : vector<16xf32>
      %select_n3A_675 = arith.select %ge3A_674, %mul3A_580, %scan3A_572 : vector<16xi1>, vector<16xf32>
      %select_n3A_676 = arith.select %ge3A_674, %scan3A_574, %mul3A_580 : vector<16xi1>, vector<16xf32>
      %select_n3A_677 = arith.select %ge3A_674, %add3A_673, %scan3A_576 : vector<16xi1>, vector<16xf32>
      scf.yield %select_n3A_629, %select_n3A_675, %select_n3A_630, %select_n3A_676, %select_n3A_631, %select_n3A_677 : vector<16xf32>, vector<16xf32>, vector<16xf32>, vector<16xf32>, vector<16xf32>, vector<16xf32>
    }
    %scan3A_458 = arith.constant 14 : i32
    %scan3A_459 = arith.constant 0 : i32
    %scan3A_460 = arith.constant 16 : i32
    %scan3A_461 = arith.addi %scan3A_459, %scan3A_460 : i32
    %scan3A_462 = arith.constant 1 : i32
    %scan3A_463:2 = scf.for %scan3A_570 = %scan3A_459 to %scan3A_461 step %scan3A_462 iter_args(%scan3A_571 = %broadcast_in_dim3A_7, %scan3A_572 = %broadcast_in_dim3A_7) -> (vector<16xf32>, vector<16xf32>)  : i32 {
      %mul3A_573 = arith.constant 128 : i32
      %mul3A_574 = arith.muli %scan3A_570, %mul3A_573 : i32
      %add3A_575 = arith.constant 0 : i32
      %add3A_576 = arith.addi %mul3A_574, %add3A_575 : i32
      %get3A_577 = arith.constant 2 : i32
      %get3A_578 = arith.index_cast %get3A_577 : i32 to index
      %get3A_579 = arith.index_cast %add3A_576 : i32 to index
      %get3A_580 = tpu.vector_load %arg5[%get3A_578, %get3A_579] {strides = array<i32>} : memref<4x2048xf32, #tpu.memory_space<vmem>>, vector<1x16xf32>,
      %get3A_581 = vector.shape_cast %get3A_580 : vector<1x16xf32> to vector<16xf32>
      %ge3A = arith.cmpf oge, %get3A_581, %scan3A_457#0 : vector<16xf32>
      %select_n3A_582 = arith.select %ge3A, %get3A_581, %broadcast_in_dim3A_7 : vector<16xi1>, vector<16xf32>
      %add3A_583 = arith.addf %scan3A_571, %select_n3A_582 : vector<16xf32>
      %add3A_584 = arith.constant 0 : i32
      %add3A_585 = arith.addi %mul3A_574, %add3A_584 : i32
      %get3A_586 = arith.constant 3 : i32
      %get3A_587 = arith.index_cast %get3A_586 : i32 to index
      %get3A_588 = arith.index_cast %add3A_585 : i32 to index
      %get3A_589 = tpu.vector_load %arg5[%get3A_587, %get3A_588] {strides = array<i32>} : memref<4x2048xf32, #tpu.memory_space<vmem>>, vector<1x16xf32>,
      %get3A_590 = vector.shape_cast %get3A_589 : vector<1x16xf32> to vector<16xf32>
      %ge3A_591 = arith.cmpf oge, %get3A_590, %scan3A_457#1 : vector<16xf32>
      %select_n3A_592 = arith.select %ge3A_591, %get3A_590, %broadcast_in_dim3A_7 : vector<16xi1>, vector<16xf32>
      %add3A_593 = arith.addf %scan3A_572, %select_n3A_592 : vector<16xf32>
      %add3A_594 = arith.constant 16 : i32
      %add3A_595 = arith.addi %mul3A_574, %add3A_594 : i32
      %get3A_596 = arith.constant 2 : i32
      %get3A_597 = arith.index_cast %get3A_596 : i32 to index
      %get3A_598 = arith.index_cast %add3A_595 : i32 to index
      %get3A_599 = tpu.vector_load %arg5[%get3A_597, %get3A_598] {strides = array<i32>} : memref<4x2048xf32, #tpu.memory_space<vmem>>, vector<1x16xf32>,
      %get3A_600 = vector.shape_cast %get3A_599 : vector<1x16xf32> to vector<16xf32>
      %ge3A_601 = arith.cmpf oge, %get3A_600, %scan3A_457#0 : vector<16xf32>
      %select_n3A_602 = arith.select %ge3A_601, %get3A_600, %broadcast_in_dim3A_7 : vector<16xi1>, vector<16xf32>
      %add3A_603 = arith.addf %add3A_583, %select_n3A_602 : vector<16xf32>
      %add3A_604 = arith.constant 16 : i32
      %add3A_605 = arith.addi %mul3A_574, %add3A_604 : i32
      %get3A_606 = arith.constant 3 : i32
      %get3A_607 = arith.index_cast %get3A_606 : i32 to index
      %get3A_608 = arith.index_cast %add3A_605 : i32 to index
      %get3A_609 = tpu.vector_load %arg5[%get3A_607, %get3A_608] {strides = array<i32>} : memref<4x2048xf32, #tpu.memory_space<vmem>>, vector<1x16xf32>,
      %get3A_610 = vector.shape_cast %get3A_609 : vector<1x16xf32> to vector<16xf32>
      %ge3A_611 = arith.cmpf oge, %get3A_610, %scan3A_457#1 : vector<16xf32>
      %select_n3A_612 = arith.select %ge3A_611, %get3A_610, %broadcast_in_dim3A_7 : vector<16xi1>, vector<16xf32>
      %add3A_613 = arith.addf %add3A_593, %select_n3A_612 : vector<16xf32>
      %add3A_614 = arith.constant 32 : i32
      %add3A_615 = arith.addi %mul3A_574, %add3A_614 : i32
      %get3A_616 = arith.constant 2 : i32
      %get3A_617 = arith.index_cast %get3A_616 : i32 to index
      %get3A_618 = arith.index_cast %add3A_615 : i32 to index
      %get3A_619 = tpu.vector_load %arg5[%get3A_617, %get3A_618] {strides = array<i32>} : memref<4x2048xf32, #tpu.memory_space<vmem>>, vector<1x16xf32>,
      %get3A_620 = vector.shape_cast %get3A_619 : vector<1x16xf32> to vector<16xf32>
      %ge3A_621 = arith.cmpf oge, %get3A_620, %scan3A_457#0 : vector<16xf32>
      %select_n3A_622 = arith.select %ge3A_621, %get3A_620, %broadcast_in_dim3A_7 : vector<16xi1>, vector<16xf32>
      %add3A_623 = arith.addf %add3A_603, %select_n3A_622 : vector<16xf32>
      %add3A_624 = arith.constant 32 : i32
      %add3A_625 = arith.addi %mul3A_574, %add3A_624 : i32
      %get3A_626 = arith.constant 3 : i32
      %get3A_627 = arith.index_cast %get3A_626 : i32 to index
      %get3A_628 = arith.index_cast %add3A_625 : i32 to index
      %get3A_629 = tpu.vector_load %arg5[%get3A_627, %get3A_628] {strides = array<i32>} : memref<4x2048xf32, #tpu.memory_space<vmem>>, vector<1x16xf32>,
      %get3A_630 = vector.shape_cast %get3A_629 : vector<1x16xf32> to vector<16xf32>
      %ge3A_631 = arith.cmpf oge, %get3A_630, %scan3A_457#1 : vector<16xf32>
      %select_n3A_632 = arith.select %ge3A_631, %get3A_630, %broadcast_in_dim3A_7 : vector<16xi1>, vector<16xf32>
      %add3A_633 = arith.addf %add3A_613, %select_n3A_632 : vector<16xf32>
      %add3A_634 = arith.constant 48 : i32
      %add3A_635 = arith.addi %mul3A_574, %add3A_634 : i32
      %get3A_636 = arith.constant 2 : i32
      %get3A_637 = arith.index_cast %get3A_636 : i32 to index
      %get3A_638 = arith.index_cast %add3A_635 : i32 to index
      %get3A_639 = tpu.vector_load %arg5[%get3A_637, %get3A_638] {strides = array<i32>} : memref<4x2048xf32, #tpu.memory_space<vmem>>, vector<1x16xf32>,
      %get3A_640 = vector.shape_cast %get3A_639 : vector<1x16xf32> to vector<16xf32>
      %ge3A_641 = arith.cmpf oge, %get3A_640, %scan3A_457#0 : vector<16xf32>
      %select_n3A_642 = arith.select %ge3A_641, %get3A_640, %broadcast_in_dim3A_7 : vector<16xi1>, vector<16xf32>
      %add3A_643 = arith.addf %add3A_623, %select_n3A_642 : vector<16xf32>
      %add3A_644 = arith.constant 48 : i32
      %add3A_645 = arith.addi %mul3A_574, %add3A_644 : i32
      %get3A_646 = arith.constant 3 : i32
      %get3A_647 = arith.index_cast %get3A_646 : i32 to index
      %get3A_648 = arith.index_cast %add3A_645 : i32 to index
      %get3A_649 = tpu.vector_load %arg5[%get3A_647, %get3A_648] {strides = array<i32>} : memref<4x2048xf32, #tpu.memory_space<vmem>>, vector<1x16xf32>,
      %get3A_650 = vector.shape_cast %get3A_649 : vector<1x16xf32> to vector<16xf32>
      %ge3A_651 = arith.cmpf oge, %get3A_650, %scan3A_457#1 : vector<16xf32>
      %select_n3A_652 = arith.select %ge3A_651, %get3A_650, %broadcast_in_dim3A_7 : vector<16xi1>, vector<16xf32>
      %add3A_653 = arith.addf %add3A_633, %select_n3A_652 : vector<16xf32>
      %add3A_654 = arith.constant 64 : i32
      %add3A_655 = arith.addi %mul3A_574, %add3A_654 : i32
      %get3A_656 = arith.constant 2 : i32
      %get3A_657 = arith.index_cast %get3A_656 : i32 to index
      %get3A_658 = arith.index_cast %add3A_655 : i32 to index
      %get3A_659 = tpu.vector_load %arg5[%get3A_657, %get3A_658] {strides = array<i32>} : memref<4x2048xf32, #tpu.memory_space<vmem>>, vector<1x16xf32>,
      %get3A_660 = vector.shape_cast %get3A_659 : vector<1x16xf32> to vector<16xf32>
      %ge3A_661 = arith.cmpf oge, %get3A_660, %scan3A_457#0 : vector<16xf32>
      %select_n3A_662 = arith.select %ge3A_661, %get3A_660, %broadcast_in_dim3A_7 : vector<16xi1>, vector<16xf32>
      %add3A_663 = arith.addf %add3A_643, %select_n3A_662 : vector<16xf32>
      %add3A_664 = arith.constant 64 : i32
      %add3A_665 = arith.addi %mul3A_574, %add3A_664 : i32
      %get3A_666 = arith.constant 3 : i32
      %get3A_667 = arith.index_cast %get3A_666 : i32 to index
      %get3A_668 = arith.index_cast %add3A_665 : i32 to index
      %get3A_669 = tpu.vector_load %arg5[%get3A_667, %get3A_668] {strides = array<i32>} : memref<4x2048xf32, #tpu.memory_space<vmem>>, vector<1x16xf32>,
      %get3A_670 = vector.shape_cast %get3A_669 : vector<1x16xf32> to vector<16xf32>
      %ge3A_671 = arith.cmpf oge, %get3A_670, %scan3A_457#1 : vector<16xf32>
      %select_n3A_672 = arith.select %ge3A_671, %get3A_670, %broadcast_in_dim3A_7 : vector<16xi1>, vector<16xf32>
      %add3A_673 = arith.addf %add3A_653, %select_n3A_672 : vector<16xf32>
      %add3A_674 = arith.constant 80 : i32
      %add3A_675 = arith.addi %mul3A_574, %add3A_674 : i32
      %get3A_676 = arith.constant 2 : i32
      %get3A_677 = arith.index_cast %get3A_676 : i32 to index
      %get3A_678 = arith.index_cast %add3A_675 : i32 to index
      %get3A_679 = tpu.vector_load %arg5[%get3A_677, %get3A_678] {strides = array<i32>} : memref<4x2048xf32, #tpu.memory_space<vmem>>, vector<1x16xf32>,
      %get3A_680 = vector.shape_cast %get3A_679 : vector<1x16xf32> to vector<16xf32>
      %ge3A_681 = arith.cmpf oge, %get3A_680, %scan3A_457#0 : vector<16xf32>
      %select_n3A_682 = arith.select %ge3A_681, %get3A_680, %broadcast_in_dim3A_7 : vector<16xi1>, vector<16xf32>
      %add3A_683 = arith.addf %add3A_663, %select_n3A_682 : vector<16xf32>
      %add3A_684 = arith.constant 80 : i32
      %add3A_685 = arith.addi %mul3A_574, %add3A_684 : i32
      %get3A_686 = arith.constant 3 : i32
      %get3A_687 = arith.index_cast %get3A_686 : i32 to index
      %get3A_688 = arith.index_cast %add3A_685 : i32 to index
      %get3A_689 = tpu.vector_load %arg5[%get3A_687, %get3A_688] {strides = array<i32>} : memref<4x2048xf32, #tpu.memory_space<vmem>>, vector<1x16xf32>,
      %get3A_690 = vector.shape_cast %get3A_689 : vector<1x16xf32> to vector<16xf32>
      %ge3A_691 = arith.cmpf oge, %get3A_690, %scan3A_457#1 : vector<16xf32>
      %select_n3A_692 = arith.select %ge3A_691, %get3A_690, %broadcast_in_dim3A_7 : vector<16xi1>, vector<16xf32>
      %add3A_693 = arith.addf %add3A_673, %select_n3A_692 : vector<16xf32>
      %add3A_694 = arith.constant 96 : i32
      %add3A_695 = arith.addi %mul3A_574, %add3A_694 : i32
      %get3A_696 = arith.constant 2 : i32
      %get3A_697 = arith.index_cast %get3A_696 : i32 to index
      %get3A_698 = arith.index_cast %add3A_695 : i32 to index
      %get3A_699 = tpu.vector_load %arg5[%get3A_697, %get3A_698] {strides = array<i32>} : memref<4x2048xf32, #tpu.memory_space<vmem>>, vector<1x16xf32>,
      %get3A_700 = vector.shape_cast %get3A_699 : vector<1x16xf32> to vector<16xf32>
      %ge3A_701 = arith.cmpf oge, %get3A_700, %scan3A_457#0 : vector<16xf32>
      %select_n3A_702 = arith.select %ge3A_701, %get3A_700, %broadcast_in_dim3A_7 : vector<16xi1>, vector<16xf32>
      %add3A_703 = arith.addf %add3A_683, %select_n3A_702 : vector<16xf32>
      %add3A_704 = arith.constant 96 : i32
      %add3A_705 = arith.addi %mul3A_574, %add3A_704 : i32
      %get3A_706 = arith.constant 3 : i32
      %get3A_707 = arith.index_cast %get3A_706 : i32 to index
      %get3A_708 = arith.index_cast %add3A_705 : i32 to index
      %get3A_709 = tpu.vector_load %arg5[%get3A_707, %get3A_708] {strides = array<i32>} : memref<4x2048xf32, #tpu.memory_space<vmem>>, vector<1x16xf32>,
      %get3A_710 = vector.shape_cast %get3A_709 : vector<1x16xf32> to vector<16xf32>
      %ge3A_711 = arith.cmpf oge, %get3A_710, %scan3A_457#1 : vector<16xf32>
      %select_n3A_712 = arith.select %ge3A_711, %get3A_710, %broadcast_in_dim3A_7 : vector<16xi1>, vector<16xf32>
      %add3A_713 = arith.addf %add3A_693, %select_n3A_712 : vector<16xf32>
      %add3A_714 = arith.constant 112 : i32
      %add3A_715 = arith.addi %mul3A_574, %add3A_714 : i32
      %get3A_716 = arith.constant 2 : i32
      %get3A_717 = arith.index_cast %get3A_716 : i32 to index
      %get3A_718 = arith.index_cast %add3A_715 : i32 to index
      %get3A_719 = tpu.vector_load %arg5[%get3A_717, %get3A_718] {strides = array<i32>} : memref<4x2048xf32, #tpu.memory_space<vmem>>, vector<1x16xf32>,
      %get3A_720 = vector.shape_cast %get3A_719 : vector<1x16xf32> to vector<16xf32>
      %ge3A_721 = arith.cmpf oge, %get3A_720, %scan3A_457#0 : vector<16xf32>
      %select_n3A_722 = arith.select %ge3A_721, %get3A_720, %broadcast_in_dim3A_7 : vector<16xi1>, vector<16xf32>
      %add3A_723 = arith.addf %add3A_703, %select_n3A_722 : vector<16xf32>
      %add3A_724 = arith.constant 112 : i32
      %add3A_725 = arith.addi %mul3A_574, %add3A_724 : i32
      %get3A_726 = arith.constant 3 : i32
      %get3A_727 = arith.index_cast %get3A_726 : i32 to index
      %get3A_728 = arith.index_cast %add3A_725 : i32 to index
      %get3A_729 = tpu.vector_load %arg5[%get3A_727, %get3A_728] {strides = array<i32>} : memref<4x2048xf32, #tpu.memory_space<vmem>>, vector<1x16xf32>,
      %get3A_730 = vector.shape_cast %get3A_729 : vector<1x16xf32> to vector<16xf32>
      %ge3A_731 = arith.cmpf oge, %get3A_730, %scan3A_457#1 : vector<16xf32>
      %select_n3A_732 = arith.select %ge3A_731, %get3A_730, %broadcast_in_dim3A_7 : vector<16xi1>, vector<16xf32>
      %add3A_733 = arith.addf %add3A_713, %select_n3A_732 : vector<16xf32>
      scf.yield %add3A_723, %add3A_733 : vector<16xf32>, vector<16xf32>
    }
    %scan3A_464 = arith.constant 16 : i32
    %mul3A_465 = arith.mulf %get3A_4, %scan3A_457#0 : vector<16xf32>
    %iota3A_466 = tpu.iota {dimensions = array<i32: 0>} : vector<16xi32>
    %add3A_467 = arith.constant 8 : i32
    %add3A_468 = vector.broadcast %add3A_467 : i32 to vector<16xi32>
    %add3A_469 = arith.addi %iota3A_466, %add3A_468 : vector<16xi32>
    %and3A_470 = arith.constant 15 : i32
    %and3A_471 = vector.broadcast %and3A_470 : i32 to vector<16xi32>
    %and3A_472 = arith.andi %add3A_469, %and3A_471 : vector<16xi32>
    %broadcast_in_dim3A_473 = vector.shape_cast %and3A_472 : vector<16xi32> to vector<16x1xi32>
    %gather3A_474 = vector.shape_cast %broadcast_in_dim3A_473 : vector<16x1xi32> to vector<16xi32>
    %gather3A_475 = tpu.dynamic_gather %scan3A_463#0[%gather3A_474] in [0] : vector<16xf32>, vector<16xi32> -> vector<16xf32>
    %add3A_476 = arith.addf %scan3A_463#0, %gather3A_475 : vector<16xf32>
    %add3A_477 = arith.constant 4 : i32
    %add3A_478 = vector.broadcast %add3A_477 : i32 to vector<16xi32>
    %add3A_479 = arith.addi %iota3A_466, %add3A_478 : vector<16xi32>
    %and3A_480 = arith.constant 15 : i32
    %and3A_481 = vector.broadcast %and3A_480 : i32 to vector<16xi32>
    %and3A_482 = arith.andi %add3A_479, %and3A_481 : vector<16xi32>
    %broadcast_in_dim3A_483 = vector.shape_cast %and3A_482 : vector<16xi32> to vector<16x1xi32>
    %gather3A_484 = vector.shape_cast %broadcast_in_dim3A_483 : vector<16x1xi32> to vector<16xi32>
    %gather3A_485 = tpu.dynamic_gather %add3A_476[%gather3A_484] in [0] : vector<16xf32>, vector<16xi32> -> vector<16xf32>
    %add3A_486 = arith.addf %add3A_476, %gather3A_485 : vector<16xf32>
    %add3A_487 = arith.constant 2 : i32
    %add3A_488 = vector.broadcast %add3A_487 : i32 to vector<16xi32>
    %add3A_489 = arith.addi %iota3A_466, %add3A_488 : vector<16xi32>
    %and3A_490 = arith.constant 15 : i32
    %and3A_491 = vector.broadcast %and3A_490 : i32 to vector<16xi32>
    %and3A_492 = arith.andi %add3A_489, %and3A_491 : vector<16xi32>
    %broadcast_in_dim3A_493 = vector.shape_cast %and3A_492 : vector<16xi32> to vector<16x1xi32>
    %gather3A_494 = vector.shape_cast %broadcast_in_dim3A_493 : vector<16x1xi32> to vector<16xi32>
    %gather3A_495 = tpu.dynamic_gather %add3A_486[%gather3A_494] in [0] : vector<16xf32>, vector<16xi32> -> vector<16xf32>
    %add3A_496 = arith.addf %add3A_486, %gather3A_495 : vector<16xf32>
    %add3A_497 = arith.constant 1 : i32
    %add3A_498 = vector.broadcast %add3A_497 : i32 to vector<16xi32>
    %add3A_499 = arith.addi %iota3A_466, %add3A_498 : vector<16xi32>
    %and3A_500 = arith.constant 15 : i32
    %and3A_501 = vector.broadcast %and3A_500 : i32 to vector<16xi32>
    %and3A_502 = arith.andi %add3A_499, %and3A_501 : vector<16xi32>
    %broadcast_in_dim3A_503 = vector.shape_cast %and3A_502 : vector<16xi32> to vector<16x1xi32>
    %gather3A_504 = vector.shape_cast %broadcast_in_dim3A_503 : vector<16x1xi32> to vector<16xi32>
    %gather3A_505 = tpu.dynamic_gather %add3A_496[%gather3A_504] in [0] : vector<16xf32>, vector<16xi32> -> vector<16xf32>
    %add3A_506 = arith.addf %add3A_496, %gather3A_505 : vector<16xf32>
    %add3A_507 = arith.addf %mul3A_465, %add3A_506 : vector<16xf32>
    %mul3A_508 = arith.mulf %scan3A_457#0, %scan3A_457#4 : vector<16xf32>
    %sub3A_509 = arith.subf %add3A_507, %mul3A_508 : vector<16xf32>
    %div3A_510 = arith.divf %add3A_331, %sub3A_509 : vector<16xf32>
    %exp3A_511 = math.exp %div3A_510 : vector<16xf32>
    %eq3A_512 = arith.constant 2 : i32
    %eq3A_513 = vector.broadcast %eq3A_512 : i32 to vector<16xi32>
    %eq3A_514 = arith.cmpi eq, %iota3A, %eq3A_513 : vector<16xi32>
    %select_n3A_515 = arith.select %eq3A_514, %exp3A_511, %select_n3A_284 : vector<16xi1>, vector<16xf32>
    %mul3A_516 = arith.mulf %get3A_4, %scan3A_457#1 : vector<16xf32>
    %iota3A_517 = tpu.iota {dimensions = array<i32: 0>} : vector<16xi32>
    %add3A_518 = arith.constant 8 : i32
    %add3A_519 = vector.broadcast %add3A_518 : i32 to vector<16xi32>
    %add3A_520 = arith.addi %iota3A_517, %add3A_519 : vector<16xi32>
    %and3A_521 = arith.constant 15 : i32
    %and3A_522 = vector.broadcast %and3A_521 : i32 to vector<16xi32>
    %and3A_523 = arith.andi %add3A_520, %and3A_522 : vector<16xi32>
    %broadcast_in_dim3A_524 = vector.shape_cast %and3A_523 : vector<16xi32> to vector<16x1xi32>
    %gather3A_525 = vector.shape_cast %broadcast_in_dim3A_524 : vector<16x1xi32> to vector<16xi32>
    %gather3A_526 = tpu.dynamic_gather %scan3A_463#1[%gather3A_525] in [0] : vector<16xf32>, vector<16xi32> -> vector<16xf32>
    %add3A_527 = arith.addf %scan3A_463#1, %gather3A_526 : vector<16xf32>
    %add3A_528 = arith.constant 4 : i32
    %add3A_529 = vector.broadcast %add3A_528 : i32 to vector<16xi32>
    %add3A_530 = arith.addi %iota3A_517, %add3A_529 : vector<16xi32>
    %and3A_531 = arith.constant 15 : i32
    %and3A_532 = vector.broadcast %and3A_531 : i32 to vector<16xi32>
    %and3A_533 = arith.andi %add3A_530, %and3A_532 : vector<16xi32>
    %broadcast_in_dim3A_534 = vector.shape_cast %and3A_533 : vector<16xi32> to vector<16x1xi32>
    %gather3A_535 = vector.shape_cast %broadcast_in_dim3A_534 : vector<16x1xi32> to vector<16xi32>
    %gather3A_536 = tpu.dynamic_gather %add3A_527[%gather3A_535] in [0] : vector<16xf32>, vector<16xi32> -> vector<16xf32>
    %add3A_537 = arith.addf %add3A_527, %gather3A_536 : vector<16xf32>
    %add3A_538 = arith.constant 2 : i32
    %add3A_539 = vector.broadcast %add3A_538 : i32 to vector<16xi32>
    %add3A_540 = arith.addi %iota3A_517, %add3A_539 : vector<16xi32>
    %and3A_541 = arith.constant 15 : i32
    %and3A_542 = vector.broadcast %and3A_541 : i32 to vector<16xi32>
    %and3A_543 = arith.andi %add3A_540, %and3A_542 : vector<16xi32>
    %broadcast_in_dim3A_544 = vector.shape_cast %and3A_543 : vector<16xi32> to vector<16x1xi32>
    %gather3A_545 = vector.shape_cast %broadcast_in_dim3A_544 : vector<16x1xi32> to vector<16xi32>
    %gather3A_546 = tpu.dynamic_gather %add3A_537[%gather3A_545] in [0] : vector<16xf32>, vector<16xi32> -> vector<16xf32>
    %add3A_547 = arith.addf %add3A_537, %gather3A_546 : vector<16xf32>
    %add3A_548 = arith.constant 1 : i32
    %add3A_549 = vector.broadcast %add3A_548 : i32 to vector<16xi32>
    %add3A_550 = arith.addi %iota3A_517, %add3A_549 : vector<16xi32>
    %and3A_551 = arith.constant 15 : i32
    %and3A_552 = vector.broadcast %and3A_551 : i32 to vector<16xi32>
    %and3A_553 = arith.andi %add3A_550, %and3A_552 : vector<16xi32>
    %broadcast_in_dim3A_554 = vector.shape_cast %and3A_553 : vector<16xi32> to vector<16x1xi32>
    %gather3A_555 = vector.shape_cast %broadcast_in_dim3A_554 : vector<16x1xi32> to vector<16xi32>
    %gather3A_556 = tpu.dynamic_gather %add3A_547[%gather3A_555] in [0] : vector<16xf32>, vector<16xi32> -> vector<16xf32>
    %add3A_557 = arith.addf %add3A_547, %gather3A_556 : vector<16xf32>
    %add3A_558 = arith.addf %mul3A_516, %add3A_557 : vector<16xf32>
    %mul3A_559 = arith.mulf %scan3A_457#1, %scan3A_457#5 : vector<16xf32>
    %sub3A_560 = arith.subf %add3A_558, %mul3A_559 : vector<16xf32>
    %div3A_561 = arith.divf %add3A_372, %sub3A_560 : vector<16xf32>
    %exp3A_562 = math.exp %div3A_561 : vector<16xf32>
    %eq3A_563 = arith.constant 3 : i32
    %eq3A_564 = vector.broadcast %eq3A_563 : i32 to vector<16xi32>
    %eq3A_565 = arith.cmpi eq, %iota3A, %eq3A_564 : vector<16xi32>
    %select_n3A_566 = arith.select %eq3A_565, %exp3A_562, %select_n3A_515 : vector<16xi1>, vector<16xf32>
    %swap3A = arith.constant 0 : index
    %swap3A_567 = tpu.vector_load %arg7[%swap3A] {strides = array<i32>} : memref<16xf32, #tpu.memory_space<vmem>>, vector<16xf32>,
    %swap3A_568 = vector.shape_cast %swap3A_567 : vector<16xf32> to vector<16xf32>
    %swap3A_569 = vector.shape_cast %select_n3A_566 : vector<16xf32> to vector<16xf32>
    tpu.vector_store %arg7[%swap3A], %swap3A_569 {strides = array<i32>} : memref<16xf32, #tpu.memory_space<vmem>>, vector<16xf32>,
    "tpu.region"() ({
      %run_scoped3A = tpu.sem_alloc : memref<!tpu.dma_semaphore, #tpu.memory_space<semaphore_mem>>
      %dma_start3A = arith.constant 0 : i32
      %dma_start3A_570 = tpu.memref_slice %arg4[%add3A, %dma_start3A] : memref<32x16xf32, #tpu.memory_space<hbm>> -> memref<1x16xf32, #tpu.memory_space<hbm>>
      %dma_start3A_571 = tpu.memref_squeeze %dma_start3A_570 : memref<1x16xf32, #tpu.memory_space<hbm>> -> memref<16xf32, #tpu.memory_space<hbm>>
      %dma_start3A_572 = arith.constant 0 : i32
      %dma_start3A_573 = tpu.memref_slice %arg4[%add3A, %dma_start3A_572] : memref<32x16xf32, #tpu.memory_space<hbm>> -> memref<1x16xf32, #tpu.memory_space<hbm>>
      %dma_start3A_574 = tpu.memref_squeeze %dma_start3A_573 : memref<1x16xf32, #tpu.memory_space<hbm>> -> memref<16xf32, #tpu.memory_space<hbm>>
      tpu.enqueue_dma source(%arg7 : memref<16xf32, #tpu.memory_space<vmem>>) target(%dma_start3A_574 : memref<16xf32, #tpu.memory_space<hbm>>) target_semaphore(%run_scoped3A : memref<!tpu.dma_semaphore, #tpu.memory_space<semaphore_mem>>)
      %dma_wait3A = arith.constant 0 : i32
      %dma_wait3A_575 = tpu.memref_slice %arg4[%add3A, %dma_wait3A] : memref<32x16xf32, #tpu.memory_space<hbm>> -> memref<1x16xf32, #tpu.memory_space<hbm>>
      %dma_wait3A_576 = tpu.memref_squeeze %dma_wait3A_575 : memref<1x16xf32, #tpu.memory_space<hbm>> -> memref<16xf32, #tpu.memory_space<hbm>>
      %dma_wait3A_577 = arith.constant 0 : i32
      %dma_wait3A_578 = tpu.memref_slice %arg4[%add3A, %dma_wait3A_577] : memref<32x16xf32, #tpu.memory_space<hbm>> -> memref<1x16xf32, #tpu.memory_space<hbm>>
      %dma_wait3A_579 = tpu.memref_squeeze %dma_wait3A_578 : memref<1x16xf32, #tpu.memory_space<hbm>> -> memref<16xf32, #tpu.memory_space<hbm>>
      tpu.wait_dma2 semaphore(%run_scoped3A : memref<!tpu.dma_semaphore, #tpu.memory_space<semaphore_mem>>) src(%arg7 : memref<16xf32, #tpu.memory_space<vmem>>) dst(%dma_wait3A_579 : memref<16xf32, #tpu.memory_space<hbm>>)
      tpu.yield
    }) : () -> ()
    return
  }
}

module attributes {stable_mosaic.version = 14 : i64} {
  func.func @_tc_fused_body(%arg0: memref<1xf32, #tpu.memory_space<smem>>, %arg1: memref<256x2048xf32, #tpu.memory_space<vmem>>, %arg2: memref<1000x2048xf32, #tpu.memory_space<vmem>>, %arg3: memref<1x1000xf32, #tpu.memory_space<vmem>>, %arg4: memref<128x1xf32, #tpu.memory_space<vmem>>, %arg5: memref<256x1000xf32, #tpu.memory_space<vmem>>) attributes {dimension_semantics = [], scalar_prefetch = 0 : i64, scratch_operands = 0 : i64, tpu.core_type = #tpu.core_type<tc>} {
    %get3A = arith.constant 0 : index
    %get3A_0 = arith.constant 0 : index
    %get3A_1 = vector.load %arg1[%get3A, %get3A_0] : memref<256x2048xf32, #tpu.memory_space<vmem>>, vector<256x2048xf32>
    %slice3A = vector.extract_strided_slice %get3A_1 {offsets = [128, 0], sizes = [128, 2048], strides = [1, 1]} : vector<256x2048xf32> to vector<128x2048xf32>
    %get3A_2 = arith.constant 0 : index
    %get3A_3 = memref.load %arg0[%get3A_2] : memref<1xf32, #tpu.memory_space<smem>>
    %reduce_sum3A = arith.constant dense<0.000000e+00> : vector<128xf32>
    %reduce_sum3A_4 = vector.multi_reduction <add>, %slice3A, %reduce_sum3A [1] : vector<128x2048xf32> to vector<128xf32>
    %broadcast_in_dim3A = vector.shape_cast %reduce_sum3A_4 : vector<128xf32> to vector<128x1xf32>
    %reduce_max3A = arith.constant dense<0xFF800000> : vector<128xf32>
    %reduce_max3A_5 = vector.multi_reduction <maximumf>, %slice3A, %reduce_max3A [1] : vector<128x2048xf32> to vector<128xf32>
    %broadcast_in_dim3A_6 = vector.shape_cast %reduce_max3A_5 : vector<128xf32> to vector<128x1xf32>
    %broadcast_in_dim3A_7 = arith.constant 0.000000e+00 : f32
    %broadcast_in_dim3A_8 = vector.broadcast %broadcast_in_dim3A_7 : f32 to vector<128x1xf32>
    %broadcast_in_dim3A_9 = arith.constant 2.048000e+03 : f32
    %broadcast_in_dim3A_10 = vector.broadcast %broadcast_in_dim3A_9 : f32 to vector<128x1xf32>
    %scan3A = arith.constant 0 : i32
    %scan3A_11 = arith.constant 14 : i32
    %scan3A_12 = arith.addi %scan3A, %scan3A_11 : i32
    %scan3A_13 = arith.constant 1 : i32
    %scan3A_14:3 = scf.for %scan3A_38 = %scan3A to %scan3A_12 step %scan3A_13 iter_args(%scan3A_39 = %broadcast_in_dim3A_8, %scan3A_40 = %broadcast_in_dim3A_6, %scan3A_41 = %broadcast_in_dim3A_10) -> (vector<128x1xf32>, vector<128x1xf32>, vector<128x1xf32>)  : i32 {
      %add3A_42 = arith.addf %scan3A_39, %scan3A_40 : vector<128x1xf32>
      %mul3A_43 = arith.constant 5.000000e-01 : f32
      %mul3A_44 = vector.broadcast %mul3A_43 : f32 to vector<128x1xf32>
      %mul3A_45 = arith.mulf %add3A_42, %mul3A_44 : vector<128x1xf32>
      %ge3A_46 = vector.broadcast %mul3A_45 : vector<128x1xf32> to vector<128x2048xf32>
      %ge3A_47 = arith.cmpf oge, %slice3A, %ge3A_46 : vector<128x2048xf32>
      %jit3A_48 = arith.constant 1.000000e+00 : f32
      %jit3A_49 = arith.constant 0.000000e+00 : f32
      %broadcast_in_dim3A_50 = vector.broadcast %jit3A_48 : f32 to vector<128x2048xf32>
      %broadcast_in_dim3A_51 = vector.broadcast %jit3A_49 : f32 to vector<128x2048xf32>
      %select_n3A_52 = arith.select %ge3A_47, %broadcast_in_dim3A_50, %broadcast_in_dim3A_51 : vector<128x2048xi1>, vector<128x2048xf32>
      %reduce_sum3A_53 = arith.constant dense<0.000000e+00> : vector<128xf32>
      %reduce_sum3A_54 = vector.multi_reduction <add>, %select_n3A_52, %reduce_sum3A_53 [1] : vector<128x2048xf32> to vector<128xf32>
      %broadcast_in_dim3A_55 = vector.shape_cast %reduce_sum3A_54 : vector<128xf32> to vector<128x1xf32>
      %ge3A_56 = vector.broadcast %get3A_3 : f32 to vector<128x1xf32>
      %ge3A_57 = arith.cmpf oge, %broadcast_in_dim3A_55, %ge3A_56 : vector<128x1xf32>
      %select_n3A_58 = arith.select %ge3A_57, %mul3A_45, %scan3A_39 : vector<128x1xi1>, vector<128x1xf32>
      %select_n3A_59 = arith.select %ge3A_57, %scan3A_40, %mul3A_45 : vector<128x1xi1>, vector<128x1xf32>
      %select_n3A_60 = arith.select %ge3A_57, %broadcast_in_dim3A_55, %scan3A_41 : vector<128x1xi1>, vector<128x1xf32>
      scf.yield %select_n3A_58, %select_n3A_59, %select_n3A_60 : vector<128x1xf32>, vector<128x1xf32>, vector<128x1xf32>
    }
    %ge3A = vector.broadcast %scan3A_14#0 : vector<128x1xf32> to vector<128x2048xf32>
    %ge3A_15 = arith.cmpf oge, %slice3A, %ge3A : vector<128x2048xf32>
    %jit3A = arith.constant 0.000000e+00 : f32
    %broadcast_in_dim3A_16 = vector.broadcast %jit3A : f32 to vector<128x2048xf32>
    %select_n3A = arith.select %ge3A_15, %slice3A, %broadcast_in_dim3A_16 : vector<128x2048xi1>, vector<128x2048xf32>
    %reduce_sum3A_17 = arith.constant dense<0.000000e+00> : vector<128xf32>
    %reduce_sum3A_18 = vector.multi_reduction <add>, %select_n3A, %reduce_sum3A_17 [1] : vector<128x2048xf32> to vector<128xf32>
    %broadcast_in_dim3A_19 = vector.shape_cast %reduce_sum3A_18 : vector<128xf32> to vector<128x1xf32>
    %mul3A = vector.broadcast %get3A_3 : f32 to vector<128x1xf32>
    %mul3A_20 = arith.mulf %mul3A, %scan3A_14#0 : vector<128x1xf32>
    %add3A = arith.addf %mul3A_20, %broadcast_in_dim3A_19 : vector<128x1xf32>
    %mul3A_21 = arith.mulf %scan3A_14#0, %scan3A_14#2 : vector<128x1xf32>
    %sub3A = arith.subf %add3A, %mul3A_21 : vector<128x1xf32>
    %div3A = arith.divf %broadcast_in_dim3A, %sub3A : vector<128x1xf32>
    %exp3A = math.exp %div3A : vector<128x1xf32>
    %get3A_22 = arith.constant 0 : index
    %get3A_23 = arith.constant 0 : index
    %get3A_24 = vector.load %arg4[%get3A_22, %get3A_23] : memref<128x1xf32, #tpu.memory_space<vmem>>, vector<128x1xf32>
    %concatenate3A = tpu.concatenate %get3A_24, %exp3A in 0 : vector<128x1xf32>, vector<128x1xf32> -> vector<256x1xf32>
    %get3A_25 = arith.constant 0 : index
    %get3A_26 = arith.constant 0 : index
    %get3A_27 = vector.load %arg2[%get3A_25, %get3A_26] : memref<1000x2048xf32, #tpu.memory_space<vmem>>, vector<1000x2048xf32>
    %dot_general3A = arith.constant dense<0.000000e+00> : vector<256x1000xf32>
    %dot_general3A_28 = tpu.matmul %get3A_1, %get3A_27, %dot_general3A {dimension_numbers = #tpu.dot_dimension_numbers<[1], [1], [0], [0], [0, 0, 1, 0], [], []>, transpose_lhs_hint = false} : vector<256x2048xf32>, vector<1000x2048xf32>, vector<256x1000xf32> -> vector<256x1000xf32>
    %mul3A_29 = vector.broadcast %concatenate3A : vector<256x1xf32> to vector<256x1000xf32>
    %mul3A_30 = arith.mulf %dot_general3A_28, %mul3A_29 : vector<256x1000xf32>
    %get3A_31 = arith.constant 0 : index
    %get3A_32 = arith.constant 0 : index
    %get3A_33 = vector.load %arg3[%get3A_31, %get3A_32] : memref<1x1000xf32, #tpu.memory_space<vmem>>, vector<1x1000xf32>
    %add3A_34 = vector.broadcast %get3A_33 : vector<1x1000xf32> to vector<256x1000xf32>
    %add3A_35 = arith.addf %mul3A_30, %add3A_34 : vector<256x1000xf32>
    %swap3A = arith.constant 0 : index
    %swap3A_36 = arith.constant 0 : index
    %swap3A_37 = vector.load %arg5[%swap3A, %swap3A_36] : memref<256x1000xf32, #tpu.memory_space<vmem>>, vector<256x1000xf32>
    tpu.vector_store %arg5[%swap3A, %swap3A_36], %add3A_35 {strides = array<i32>} : memref<256x1000xf32, #tpu.memory_space<vmem>>, vector<256x1000xf32>,
    return
  }
}

</mosaic_0001>

<sc_bundles>
// kernel: kernel.4.cloned.1.call-start
scs
__scs_entry_jumppad:
0x0: {  	(pc) =	sbr.rel $0x88, $3  }
0x1: {  	(tag) =	ssettag $0x0;
	lr =	simm.s32 $0x1  }
0x2: {  	[smem:$0x3F9D] =	sst lr;
	_ =	strace $0xD0000000  }
0x3: {  	_ = 	snop  }
0x4: {  	_ = 	snop  }
0x5: {  	_ = 	snop  }
0x6: {  	_ = 	snop  }
0x7: {  	_ = 	snop  }
__scs_overlays_trampoline_lowered:
0x8: {  	[smem:$0x3FAC] =	sst s0  }
0x9: {  	[smem:$0x3FAD] =	sst s1  }
0xa: {  	[smem:$0x3FAE] =	sst s2  }
0xb: {  	[smem:$0x3FAF] =	sst s3  }
0xc: {  	[smem:$0x3FB0] =	sst s4  }
0xd: {  	[smem:$0x3FB1] =	sst s5  }
0xe: {  	[smem:$0x3FB2] =	sst s6  }
0xf: {  	[smem:$0x3FB3] =	sst s7  }
0x10: {  	[smem:$0x3FB4] =	sst s8  }
0x11: {  	[smem:$0x3FB5] =	sst s9;
	s0 =	simm.s32 @!p0 $0x0  }
0x12: {  	s1 =	sld [smem:$0x3F9B];
	s0 =	simm.s32 @p0 $0x1  }
0x13: {  	[smem:$0x3FB6] =	sst s0;
	s0 =	simm.s32 @!p1 $0x0  }
0x14: {  	s2 =	sld [smem:$0x3F9A];
	s0 =	simm.s32 @p1 $0x1  }
0x15: {  	[smem:$0x3FB7] =	sst s0;
	s0 =	simm.s32 @!p2 $0x0  }
0x16: {  	s3 =	sld [smem:$0x3FDB];
	s0 =	simm.s32 @p2 $0x1  }
0x17: {  	s4 =	simm.s32 $0x1BF5;
	[smem:$0x3FB9] =	sst s0  }
0x18: {  	s0 =	sld [smem:$0x3F9C];
	_ =	swait.ge [sflag:s4], $0x0  }
0x19: {  	s7 =	sld [smem:$0x3F9D]  }
0x1a: {  	s8 =	sadd.s32 $0xFFFFE003, lr  }
0x1b: {  	s9 =	sadd.s32 $0xFFFFFEF7, lr;
	s5 =	simm.s32 $0xFFFFFFFF;
	p2 =	slt.u32 s8, $0xFFFFF086  }
0x1c: {  	p1 =	slt.u32 s9, $0xF7A;
	s5 =	simm.s32 @!p2 $0x0  }
0x1d: {  	s5 =	simm.s32 @p1 $0x1;
	p0 =	seq.s32 s7, s2  }
0x1e: {  	s7 =	smul.u32 @!p0 $0xF7A, s2;
	p2 =	seq.s32 @!p0 s5, $0x0  }
0x1f: {  	s9 =	smul.u32 $0xF7A, s1;
	s8 =	simm.s32 @!p0 $0x1BF5;
	p2 =	por !p2, p0  }
0x20: {  	[sflag:s8] =	ssyncset.s32 @!p0 $0xFFFFF086;
	s6 =	sadd.s32 @!p0 s3, s7;
	s7 =	simm.s32 @!p0 $0x108  }
0x21: {  	s3 =	sadd.s32 s3, s9;
	s6 =	sadd.s32 @!p0 $0x88, s6;
	s7 =	simm.s32 @p2 $0x1082  }
0x22: {  	[simem:s7], [sflag:s8] =	dma.local @!p0 [hbm:s6], $0xF7A  }
0x23: {  	s9 =	sor.u32 $0xD0000000, s2;
	s6 =	simm.s32 $0x108;
	_ =	swait.ge @!p0 [sflag:s8], $0x0  }
0x24: {  	s3 =	sadd.s32 $0x88, s3;
	s6 =	simm.s32 @!p1 $0x1082;
	[sflag:s4] =	ssyncset.s32 $0xFFFFF086  }
0x25: {  	[simem:s6], [sflag:s4] =	dma.local [hbm:s3], $0xF7A  }
0x26: {  	[smem:$0x3F9D] =	sst s1;
	(tag) =	ssettag s2;
	_ =	strace s9  }
0x27: {  	s1 =	sld [smem:$0x3FAD]  }
0x28: {  	s2 =	sld [smem:$0x3FAE]  }
0x29: {  	s4 =	sld [smem:$0x3FB0]  }
0x2a: {  	p0 =	seq.s32 s5, $0x0;
	s5 =	sld [smem:$0x3FB1]  }
0x2b: {  	s6 =	sld [smem:$0x3FB2]  }
0x2c: {  	s7 =	sld [smem:$0x3FB3]  }
0x2d: {  	s3 =	simm.s32 $0x108;
	s8 =	sld [smem:$0x3FB4]  }
0x2e: {  	s3 =	simm.s32 @!p0 $0x1082;
	s9 =	sld [smem:$0x3FB5]  }
0x2f: {  	lr =	sadd.s32 s0, s3;
	s0 =	sld [smem:$0x3FAC]  }
0x30: {  	s3 =	sld [smem:$0x3FAF]  }
0x31: {  	[smem:$0x3FB8] =	sst s10  }
0x32: {  	s10 =	sld [smem:$0x3FB6];
	_ =	sdelay $0x3  }
0x33: {  	p0 =	seq.s32 s10, $0x1;
	s10 =	sld [smem:$0x3FB8];
	_ =	sdelay $0x3  }
0x34: {  	[smem:$0x3FB8] =	sst s10  }
0x35: {  	s10 =	sld [smem:$0x3FB7];
	_ =	sdelay $0x3  }
0x36: {  	p1 =	seq.s32 s10, $0x1;
	s10 =	sld [smem:$0x3FB8];
	_ =	sdelay $0x3  }
0x37: {  	[smem:$0x3FB8] =	sst s10  }
0x38: {  	s10 =	sld [smem:$0x3FB9]  }
0x39: {  	_ = 	snop;
	(pc) =	sbr.ind lr, $3  }
0x3a: {  	_ = 	snop  }
0x3b: {  	_ = 	snop  }
0x3c: {  	p2 =	seq.s32 s10, $0x1;
	s10 =	sld [smem:$0x3FB8]  }
0x3d: {  	_ =	shalt  }
0x3e: {  	_ =	shalt  }
0x3f: {  	_ =	shalt  }
0x40: {  	_ =	shalt  }
0x41: {  	_ =	shalt  }
0x42: {  	_ =	shalt  }
0x43: {  	_ =	shalt  }
0x44: {  	_ =	shalt  }
0x45: {  	_ =	shalt  }
0x46: {  	_ =	shalt  }
0x47: {  	_ =	shalt  }
0x48: {  	_ =	shalt  }
0x49: {  	_ =	shalt  }
0x4a: {  	_ =	shalt  }
0x4b: {  	_ =	shalt  }
0x4c: {  	_ =	shalt  }
0x4d: {  	_ =	shalt  }
0x4e: {  	_ =	shalt  }
0x4f: {  	_ =	shalt  }
0x50: {  	_ =	shalt  }
0x51: {  	_ =	shalt  }
0x52: {  	_ =	shalt  }
0x53: {  	_ =	shalt  }
0x54: {  	_ =	shalt  }
0x55: {  	_ =	shalt  }
0x56: {  	_ =	shalt  }
0x57: {  	_ =	shalt  }
0x58: {  	_ =	shalt  }
0x59: {  	_ =	shalt  }
0x5a: {  	_ =	shalt  }
0x5b: {  	_ =	shalt  }
0x5c: {  	_ =	shalt  }
0x5d: {  	_ =	shalt  }
0x5e: {  	_ =	shalt  }
0x5f: {  	_ =	shalt  }
0x60: {  	_ =	shalt  }
0x61: {  	_ =	shalt  }
0x62: {  	_ =	shalt  }
0x63: {  	_ =	shalt  }
0x64: {  	_ =	shalt  }
0x65: {  	_ =	shalt  }
0x66: {  	_ =	shalt  }
0x67: {  	_ =	shalt  }
0x68: {  	_ =	shalt  }
0x69: {  	_ =	shalt  }
0x6a: {  	_ =	shalt  }
0x6b: {  	_ =	shalt  }
0x6c: {  	_ =	shalt  }
0x6d: {  	_ =	shalt  }
0x6e: {  	_ =	shalt  }
0x6f: {  	_ =	shalt  }
0x70: {  	_ =	shalt  }
0x71: {  	_ =	shalt  }
0x72: {  	_ =	shalt  }
0x73: {  	_ =	shalt  }
0x74: {  	_ =	shalt  }
0x75: {  	_ =	shalt  }
0x76: {  	_ =	shalt  }
0x77: {  	_ =	shalt  }
0x78: {  	_ =	shalt  }
0x79: {  	_ =	shalt  }
0x7a: {  	_ =	shalt  }
0x7b: {  	_ =	shalt  }
0x7c: {  	_ =	shalt  }
0x7d: {  	_ =	shalt  }
0x7e: {  	_ =	shalt  }
0x7f: {  	_ =	shalt  }
0x80: {  	_ =	shalt  }
0x81: {  	_ =	shalt  }
0x82: {  	_ =	shalt  }
0x83: {  	_ =	shalt  }
0x84: {  	_ =	shalt  }
0x85: {  	_ =	shalt  }
0x86: {  	_ =	shalt  }
0x87: {  	_ =	shalt  }
.Lfunc_end0:
.L_simem_size_0:
called_computation_lowered:
.L_overlay_start_0:
0x88: {  	s2 =	sld [smem:$0x3FD9]  }
0x89: {  	s3 =	sld [smem:$0x3FFE];
	_ =	sdelay $0x1  }
0x8a: {  	s1 =	srdreg.scid  }
0x8b: {  	s0 =	sand.u32 $0x1, s1  }
0x8c: {  	s17 =	sshll.u32 s0, $0xA;
	s2 =	sadd.s32 s3, s2  }
0x8d: {  	s2 =	sadd.s32 s2, s17  }
0x8e: {  	[smem:$0x3FC4] =	sst s2  }
0x8f: {  	_ = 	snop  }
0x90: {  	s2 =	sld [smem:$0x3FD0];
	(tm) =	ssettm $0x1  }
0x91: {  	s18 =	sld [smem:$0x3FFB];
	_ =	sdelay $0x3  }
0x92: {  	_ =	strace s18  }
0x93: {  	s3 =	sld [smem:$0x3FFC];
	_ =	sdelay $0x3  }
0x94: {  	_ =	strace s3  }
0x95: {  	s3 =	sld [smem:$0x3FFD];
	_ =	sdelay $0x3  }
0x96: {  	_ =	strace s3  }
0x97: {  	_ =	strace $0x8FFFFFFF  }
0x98: {  	s19 =	sld [smem:$0x3FDB];
	_ =	sdelay $0x1  }
0x99: {  	s4 =	simm.s32 $_scs_section_size  }
0x9a: {  	s5 =	simm.s32 $_size__tile_overlayer_lowered;
	s6 =	simm.s32 $_tile_overlayer_lowered  }
0x9b: {  	s22 =	simm.s32 $0x1BFF;
	s21 =	sshll.u32 s6, $0x1;
	s3 =	sadd.s32 s4, s19  }
0x9c: {  	s7 =	simm.s32 $0x0;
	s20 =	sshll.u32 s5, $0x1;
	s5 =	sadd.s32 s21, s3  }
0x9d: {  	[timem:s7], [sflag:s22] =	dma.local [hbm:s5], s20  }
0x9e: {  	_ =	swait.ge [sflag:s22], s20  }
0x9f: {  	s4 =	ssub.s32 $0x0, s20;
	[sflag:s22] =	ssyncset.done $0x0  }
0xa0: {  	[sflag:s22] =	ssyncadd.s32 s4;
	_ =	sdelay $0x1  }
0xa1: {  	s23 =	simm.s32 $0x1B8B  }
0xa2: {  	_ =	swait.ge [sflag:s23], $0x1  }
0xa3: {  	[sflag:s23] =	ssyncset.done $0x0  }
0xa4: {  	s25 =	simm.s32 $0x1B8E;
	s24 =	sld [smem:$0x3FFE];
	[sflag:s23] =	ssyncadd.s32 $0xFFFFFFFF  }
0xa5: {  	s26 =	simm.s32 $execute0_lowered;
	[smem:$0x3FD2] =	sst s25  }
0xa6: {  	s5 =	sshll.u32 s26, $0x1;
	_ =	strace $0x80000046;
	[dreg:$0x1] =	wrdreg $0xFFFFFFFF  }
0xa7: {  	s28 =	simm.s32 $_size_execute0_lowered;
	s3 =	sadd.s32 s3, s5;
	[dreg:$0x0] =	wrdreg $0x0  }
0xa8: {  	s5 =	sshll.u32 s28, $0x1;
	[dreg:$0x2] =	wrdreg s3  }
0xa9: {  	[dreg:$0x3] =	wrdreg s5  }
0xaa: {  	[dreg:$0x4] =	wrdreg $0xC0  }
0xab: {  	_ =	task [dreg:s7], $0x5FFFF  }
0xac: {  	[dreg:$0x1] =	wrdreg $0xFFFFFFFF  }
0xad: {  	[dreg:$0x0] =	wrdreg $0x60  }
0xae: {  	[dreg:$0x2] =	wrdreg s24  }
0xaf: {  	[dreg:$0x3] =	wrdreg s2  }
0xb0: {  	[dreg:$0x4] =	wrdreg $0x9  }
0xb1: {  	_ =	task.clear_ibuf [dreg:s7], $0x5FFFF;
	_ =	strace $0x90000046  }
0xb2: {  	s29 =	simm.s32 $0x9;
	_ =	strace $0x80000048  }
0xb3: {  	_ =	swait.ge [sflag:s29], $0x1  }
0xb4: {  	[sflag:s29] =	ssyncadd.s32 $0xFFFFFFFF  }
0xb5: {  	_ =	strace $0x90000048  }
0xb6: {  	_ =	sfence  }
0xb7: {  	s30 =	sld [smem:$0x0];
	_ =	sdelay $0x2  }
0xb8: {  	s31 =	sshll.u32 s1, $0xD;
	s1 =	sshrl.u32 s1, $0x2  }
0xb9: {  	s3 =	sand.u32 $0x4000, s31;
	s1 =	sadd.s32 s1, s30  }
0xba: {  	s0 =	sor.u32 s3, s0;
	s1 =	sshll.u32 s1, $0x11  }
0xbb: {  	s0 =	sor.u32 s1, s0  }
0xbc: {  	s0 =	sadd.s32 $0x8F2B, s0  }
0xbd: {  	[sflag:s0] =	ssyncadd.remote.s32 $0x1  }
0xbe: {  	_ =	sfence.sel $0xFFFF  }
0xbf: {  	[dreg:$0x0] =	wrdreg $0xFFFFFFFF;
	(pc) =	sbr.abs _section_cstart, $3  }
0xc0: {  	[dreg:$0x1] =	wrdreg $0xFFFFFFFF  }
0xc1: {  	_ =	task.clear_ibuf [dreg:s7], $0x2FFFF;
	_ =	strace $0x9FFFFFFF  }
0xc2: {  	(tm) =	ssettm $0x7FFFFFFF  }
0xc3: {  	_ =	shalt  }
tec
execute0_lowered:
.L_overlay_start_1:
0x0: {  	(tag) =	ssettag $0x1  }
0x1: {  	v0 =	vimm.s32 $0xFEDCBA98;
	v1 =	vimm.s32 $0x76543210;
	v2 =	vimm.s32 $0x3210FEDC  }
0x2: {  	s2 =	rddreg [dreg:$0x0];
	v3 =	vimm.s32 $0xBA987654;
	v4 =	vimm.s32 $0x10FEDCBA;
	v5 =	vimm.s32 $0x98765432  }
0x3: {  	s4 =	rddreg [dreg:$0x1];
	v6 =	vimm.s32 $0xFEDCBA9;
	v7 =	vimm.s32 $0x87654321;
	vm0 =	vcmask $0x310  }
0x4: {  	s3 =	srdreg.scid;
	s0 =	rddreg [dreg:$0x2];
	s1 =	simm.s32 $0x0;
	v0 =	vunpack.c.l.s4.s8 v0;
	v1 =	vunpack.c.l.s4.s8 v1;
	v2 =	vunpack.c.l.s4.s8 v2  }
0x5: {  	s9 =	simm.s32 $0x1;
	s10 =	simm.s32 $0x2000;
	s11 =	simm.s32 $0x2080;
	v3 =	vunpack.c.l.s4.s8 v3;
	v4 =	vunpack.c.l.s4.s8 v4;
	v5 =	vunpack.c.l.s4.s8 v5  }
0x6: {  	s12 =	simm.s32 $0x0;
	s5 =	sand.u32 $0x1, s3;
	[smem:$0x7FF] =	sst s1;
	v6 =	vunpack.c.l.s4.s8 v6;
	v7 =	vunpack.c.l.s4.s8 v7;
	v0 =	vunpack.c.0.s8.s32 v0  }
0x7: {  	s3 =	sshll.u32 s5, $0x6;
	_ =	strace $0x80000047;
	s7 =	ssub.s32 $0x2, s5;
	v2 =	vunpack.c.0.s8.s32 v2;
	v3 =	vunpack.c.0.s8.s32 v3;
	v4 =	vunpack.c.0.s8.s32 v4  }
0x8: {  	s5 =	sshll.u32 s5, $0x4;
	s6 =	sadd.s32 s3, s2;
	s3 =	sadd.s32 $0x9000, s2;
	v5 =	vunpack.c.0.s8.s32 v5;
	v6 =	vunpack.c.0.s8.s32 v6;
	v7 =	vunpack.c.0.s8.s32 v7  }
0x9: {  	vm1 =	vcmask $0x710;
	s2 =	stileid.u32;
	s8 =	sshrl.u32 s7, $0x1;
	v1 =	vunpack.c.0.s8.s32 v1;
	s5 =	sadd.s32 s4, s5;
	v2 =	vcombine.low v3, v2  }
0xa: {  	s7 =	ssub.s32 s7, s8;
	s30 =	sshll.u32 s2, $0xB;
	s31 =	sshll.u32 s2, $0x5;
	v3 =	vcombine.low v5, v4;
	v4 =	vcombine.low v7, v6;
	v0 =	vand.u32 $0xF, v0  }
0xb: {  	vm2 =	vcmask $0xB10;
	s8 =	simm.s32 $0x400;
	s6 =	sadd.s32 s30, s6;
	s5 =	sadd.s32 s31, s5;
	v0 =	vcombine.low v0, v1;
	v1 =	vand.u32 $0xF, v2  }
0xc: {  	s4 =	sadd.s32 $0xE00, s6;
	s6 =	smax.u32 s7, $0x1;
	s7 =	simm.s32 $0x200;
	v2 =	vand.u32 $0xF, v3;
	v3 =	vand.u32 $0xF, v4;
	v4 =	vimm.f32 $0.0e+00  }
.LBB2_1:
0xd: {  	[tilespmem:s1], [sflag:$0x1] =	stream.strided.gather [hbm4b:s4+s7], $0x2000, s8, s7, $0x38;
	[tilespmem:$0x2100] =	vst v63  }
0xe: {  	_ =	swait.ge [sflag:s9], $0x2000  }
0xf: {  	[sflag:s9] =	ssyncset.done $0x0  }
0x10: {  	[sflag:s9] =	ssyncadd.s32 $0xFFFFE000  }
0x11: {  	[tilespmem:s10], [sflag:$0x1] =	stream.linear.gather [hbm4b:s3+s1], $0x80, $0x38;
	[tilespmem:$0x2100] =	vst v63  }
0x12: {  	_ =	swait.ge [sflag:s9], $0x80  }
0x13: {  	[sflag:s9] =	ssyncset.done $0x0  }
0x14: {  	[sflag:s9] =	ssyncadd.s32 $0xFFFFFF80  }
0x15: {  	s14 =	simm.s32 $0x0;
	v5 =	vld [tilespmem:$0x2000]  }
0x16: {  	v6 =	vld [tilespmem:s14+$0x0]  }
0x17: {  	v8 =	vld [tilespmem:s14+$0x80]  }
0x18: {  	v7 =	vld [tilespmem:s14+$0x10]  }
0x19: {  	v11 =	vld [tilespmem:s14+$0x90]  }
0x1a: {  	v9 =	vld [tilespmem:s14+$0x20]  }
0x1b: {  	v12 =	vld [tilespmem:s14+$0xA0]  }
0x1c: {  	v14 =	vld [tilespmem:s14+$0x30];
	v10 =	vadd.f32 v6, v4;
	v13 =	vadd.f32 v8, v4  }
0x1d: {  	v15 =	vld [tilespmem:s14+$0xB0]  }
0x1e: {  	v16 =	vld [tilespmem:s14+$0x40];
	v10 =	vadd.f32 v7, v10;
	v13 =	vadd.f32 v11, v13  }
0x1f: {  	v17 =	vmax.f32 v4, v6;
	v6 =	vld [tilespmem:s14+$0xC0]  }
0x20: {  	v7 =	vmax.f32 v17, v7;
	v17 =	vld [tilespmem:s14+$0x50];
	v10 =	vadd.f32 v9, v10;
	v13 =	vadd.f32 v12, v13  }
0x21: {  	v9 =	vmax.f32 v7, v9;
	v7 =	vld [tilespmem:s14+$0xD0]  }
0x22: {  	v9 =	vmax.f32 v9, v14;
	v14 =	vadd.f32 v14, v10;
	v13 =	vadd.f32 v15, v13;
	v10 =	vld [tilespmem:s14+$0x60]  }
0x23: {  	v8 =	vmax.f32 v4, v8;
	v18 =	vmax.f32 v9, v16;
	v9 =	vld [tilespmem:s14+$0xE0]  }
0x24: {  	v8 =	vmax.f32 v8, v11;
	v11 =	vld [tilespmem:s14+$0x70];
	v16 =	vadd.f32 v16, v14;
	v19 =	vadd.f32 v6, v13  }
0x25: {  	s13 =	simm.s32 $0x200;
	v14 =	vmax.f32 v8, v12;
	v13 =	vmax.f32 v18, v17;
	v12 =	vld [tilespmem:s14+$0xF0]  }
0x26: {  	v8 =	vld [tilespmem:s13+$0x0];
	s14 =	simm.s32 $0x1000;
	v14 =	vmax.f32 v14, v15;
	v16 =	vadd.f32 v17, v16;
	v15 =	vadd.f32 v7, v19  }
.LBB2_2:
0x27: {  	p0 =	sne.s32 s14, $0x7800;
	v17 =	vld [tilespmem:s13+$0x80];
	v6 =	vmax.f32 v14, v6;
	v13 =	vmax.f32 v13, v10  }
0x28: {  	v14 =	vld [tilespmem:s13+$0x10];
	v6 =	vmax.f32 v6, v7;
	v7 =	vadd.f32 v10, v16;
	v10 =	vadd.f32 v9, v15  }
0x29: {  	v15 =	vld [tilespmem:s13+$0x90];
	v6 =	vmax.f32 v6, v9;
	v9 =	vmax.f32 v13, v11  }
0x2a: {  	v13 =	vld [tilespmem:s13+$0x20];
	v7 =	vadd.f32 v11, v7;
	v11 =	vmax.f32 v6, v12;
	v6 =	vadd.f32 v12, v10  }
0x2b: {  	v12 =	vld [tilespmem:s13+$0xA0]  }
0x2c: {  	v7 =	vadd.f32 v8, v7;
	v6 =	vadd.f32 v17, v6;
	v10 =	vld [tilespmem:s13+$0x30]  }
0x2d: {  	v16 =	vld [tilespmem:s13+$0xB0]  }
0x2e: {  	v7 =	vadd.f32 v14, v7;
	v18 =	vadd.f32 v15, v6;
	v19 =	vld [tilespmem:s13+$0x40]  }
0x2f: {  	v8 =	vmax.f32 v9, v8;
	v6 =	vld [tilespmem:s13+$0xC0]  }
0x30: {  	v8 =	vmax.f32 v8, v14;
	v9 =	vadd.f32 v13, v7;
	v14 =	vadd.f32 v12, v18;
	v18 =	vld [tilespmem:s13+$0x50]  }
0x31: {  	v8 =	vmax.f32 v8, v13;
	v7 =	vld [tilespmem:s13+$0xD0]  }
.Ltmp0:
0x32: {  	v8 =	vmax.f32 v8, v10;
	v13 =	vadd.f32 v10, v9;
	v14 =	vadd.f32 v16, v14;
	v10 =	vld [tilespmem:s13+$0x60];
	(pc) =	sbr.rel @p0 .LBB2_2-.Ltmp0, $4  }
0x33: {  	v11 =	vmax.f32 v11, v17;
	v8 =	vmax.f32 v8, v19;
	v9 =	vld [tilespmem:s13+$0xE0]  }
0x34: {  	v15 =	vmax.f32 v11, v15;
	v17 =	vadd.f32 v19, v13;
	v19 =	vadd.f32 v6, v14;
	v11 =	vld [tilespmem:s13+$0x70]  }
0x35: {  	v14 =	vmax.f32 v15, v12;
	v13 =	vmax.f32 v8, v18;
	v12 =	vld [tilespmem:s13+$0xF0];
	s13 =	sshra.s32 s14, $0x2  }
0x36: {  	s14 =	sadd.s32 $0x800, s14;
	v14 =	vmax.f32 v14, v16;
	v8 =	vld [tilespmem:s13+$0x0];
	v16 =	vadd.f32 v18, v17;
	v15 =	vadd.f32 v7, v19  }
0x37: {  	_ = 	snop  }
0x38: {  	v17 =	vld [tilespmem:s13+$0x80];
	v16 =	vadd.f32 v10, v16  }
0x39: {  	v18 =	vld [tilespmem:s13+$0x10];
	v15 =	vadd.f32 v9, v15  }
0x3a: {  	v19 =	vld [tilespmem:s13+$0x90];
	v16 =	vadd.f32 v11, v16  }
0x3b: {  	v20 =	vld [tilespmem:s13+$0x20];
	v15 =	vadd.f32 v12, v15  }
0x3c: {  	v21 =	vld [tilespmem:s13+$0xA0];
	v16 =	vadd.f32 v8, v16  }
0x3d: {  	v22 =	vld [tilespmem:s13+$0x30];
	v15 =	vadd.f32 v17, v15  }
0x3e: {  	v23 =	vld [tilespmem:s13+$0xB0];
	v16 =	vadd.f32 v18, v16  }
0x3f: {  	v24 =	vld [tilespmem:s13+$0x40];
	v15 =	vadd.f32 v19, v15  }
0x40: {  	v25 =	vld [tilespmem:s13+$0xC0];
	v16 =	vadd.f32 v20, v16  }
0x41: {  	v26 =	vld [tilespmem:s13+$0x50];
	v15 =	vadd.f32 v21, v15  }
0x42: {  	v27 =	vld [tilespmem:s13+$0xD0];
	v16 =	vadd.f32 v22, v16  }
0x43: {  	v6 =	vmax.f32 v14, v6;
	v14 =	vadd.f32 v23, v15;
	v15 =	vld [tilespmem:s13+$0x60]  }
0x44: {  	v10 =	vmax.f32 v13, v10;
	v6 =	vmax.f32 v6, v7;
	v7 =	vld [tilespmem:s13+$0xE0];
	v13 =	vadd.f32 v24, v16  }
0x45: {  	v6 =	vmax.f32 v6, v9;
	v9 =	vmax.f32 v10, v11;
	v11 =	vld [tilespmem:s13+$0x70];
	v10 =	vadd.f32 v25, v14  }
0x46: {  	v6 =	vmax.f32 v6, v12;
	v8 =	vmax.f32 v9, v8;
	v9 =	vld [tilespmem:s13+$0xF0];
	v12 =	vadd.f32 v26, v13  }
0x47: {  	v6 =	vmax.f32 v6, v17;
	v8 =	vmax.f32 v8, v18;
	v10 =	vadd.f32 v27, v10  }
0x48: {  	v6 =	vmax.f32 v6, v19;
	v8 =	vmax.f32 v8, v20;
	v12 =	vadd.f32 v15, v12  }
0x49: {  	v6 =	vmax.f32 v6, v21;
	v8 =	vmax.f32 v8, v22;
	v10 =	vadd.f32 v7, v10  }
0x4a: {  	v6 =	vmax.f32 v6, v23;
	v8 =	vmax.f32 v8, v24;
	v12 =	vadd.f32 v11, v12  }
0x4b: {  	v6 =	vmax.f32 v6, v25;
	v8 =	vmax.f32 v8, v26;
	v10 =	vadd.f32 v9, v10  }
0x4c: {  	v6 =	vmax.f32 v6, v27;
	v8 =	vmax.f32 v8, v15;
	v13 =	vperm.xlane v12, v0  }
0x4d: {  	v6 =	vmax.f32 v6, v7;
	v7 =	vmax.f32 v8, v11;
	v8 =	vperm.xlane v10, v0  }
0x4e: {  	v6 =	vmax.f32 v6, v9;
	v11 =	vperm.xlane v7, v0;
	v9 =	vadd.f32 v13, v12  }
0x4f: {  	v8 =	vadd.f32 v8, v10;
	v10 =	vperm.xlane v6, v0  }
0x50: {  	v7 =	vmax.f32 v7, v11;
	v12 =	vperm.xlane v9, v1  }
0x51: {  	v13 =	vperm.xlane v7, v1;
	v11 =	vperm.xlane v8, v1;
	v6 =	vmax.f32 v6, v10  }
0x52: {  	v10 =	vperm.xlane v6, v1;
	v9 =	vadd.f32 v12, v9  }
0x53: {  	v7 =	vmax.f32 v7, v13;
	v11 =	vadd.f32 v11, v8  }
0x54: {  	v12 =	vperm.xlane v7, v2;
	v10 =	vmax.f32 v6, v10;
	v8 =	vperm.xlane v9, v2  }
0x55: {  	v6 =	vperm.xlane v11, v2;
	v13 =	vperm.xlane v10, v2  }
0x56: {  	v8 =	vadd.f32 v8, v9  }
0x57: {  	v9 =	vmax.f32 v7, v12;
	v6 =	vadd.f32 v6, v11;
	v10 =	vmax.f32 v10, v13  }
0x58: {  	v12 =	vperm.xlane v9, v3;
	v13 =	vperm.xlane v10, v3  }
0x59: {  	v16 =	vimm.f32 $0.0e+00;
	v11 =	vperm.xlane v8, v3;
	v7 =	vperm.xlane v6, v3  }
0x5a: {  	v14 =	vmax.f32 v9, v12;
	v15 =	vmax.f32 v10, v13;
	v9 =	vimm.f32 $2.048000000e+03  }
0x5b: {  	s13 =	simm.s32 $0x0;
	v12 =	vimm.f32 $2.048000000e+03;
	v10 =	vimm.f32 $0.0e+00;
	v13 =	vimm.f32 $0.0e+00  }
.LBB2_4:
0x5c: {  	s14 =	simm.s32 $0x0  }
0x5d: {  	v19 =	vld [tilespmem:s14+$0xB0]  }
0x5e: {  	v20 =	vld [tilespmem:s14+$0x30]  }
0x5f: {  	v21 =	vld [tilespmem:s14+$0x10]  }
0x60: {  	v22 =	vld [tilespmem:s14+$0x80]  }
0x61: {  	v17 =	vadd.f32 v15, v10;
	v23 =	vld [tilespmem:s14+$0x90]  }
0x62: {  	v18 =	vadd.f32 v14, v13;
	v24 =	vld [tilespmem:s14+$0x0]  }
0x63: {  	v25 =	vld [tilespmem:s14+$0x20];
	v17 =	vmul.f32 $5.000000000e-01, v17  }
0x64: {  	v26 =	vld [tilespmem:s14+$0xA0];
	v18 =	vmul.f32 $5.000000000e-01, v18  }
0x65: {  	v30 =	vld [tilespmem:s14+$0x50];
	vm3 =	vge.f32 v19, v17  }
0x66: {  	v32 =	vld [tilespmem:s14+$0xD0];
	vm4 =	vge.f32 v21, v18;
	vm5 =	vge.f32 v20, v18;
	vm6 =	vge.f32 v22, v17  }
0x67: {  	v22 =	vsel vm5, $0x3F800000, v4;
	v19 =	vsel vm6, $0x3F800000, v4;
	vm5 =	vge.f32 v23, v17  }
0x68: {  	v28 =	vld [tilespmem:s14+$0x70];
	v29 =	vsel vm3, $0x3F800000, v4;
	vm3 =	vge.f32 v24, v18;
	v20 =	vsel vm4, $0x3F800000, v4  }
0x69: {  	v27 =	vld [tilespmem:s14+$0xF0];
	vm4 =	vge.f32 v25, v18;
	v24 =	vadd.f32 v20, v16;
	v21 =	vsel vm5, $0x3F800000, v4  }
0x6a: {  	v23 =	vld [tilespmem:s14+$0x40];
	v20 =	vsel vm4, $0x3F800000, v4;
	vm4 =	vge.f32 v26, v17;
	vm5 =	vge.f32 v30, v18  }
0x6b: {  	v26 =	vld [tilespmem:s14+$0x60];
	v31 =	vadd.f32 v21, v16;
	v25 =	vsel vm4, $0x3F800000, v4;
	vm4 =	vge.f32 v32, v17  }
0x6c: {  	s15 =	simm.s32 $0x800;
	v21 =	vld [tilespmem:s14+$0xC0];
	v30 =	vadd.f32 v22, v24;
	v22 =	vimm.f32 $0.0e+00;
	v24 =	vimm.f32 $0.0e+00  }
.LBB2_5:
0x6d: {  	p0 =	sne.s32 s15, $0x7800;
	v29 =	vadd.f32 v29, v31;
	v31 =	vsel vm5, $0x3F800000, v4;
	v32 =	vld [tilespmem:s14+$0xE0];
	s14 =	sshra.s32 s15, $0x2;
	s15 =	sadd.s32 $0x800, s15;
	vm5 =	vge.f32 v28, v18  }
0x6e: {  	v33 =	vld [tilespmem:s14+$0x20];
	v28 =	vadd.f32 v31, v30;
	v30 =	vsel vm4, $0x3F800000, v4;
	vm4 =	vge.f32 v27, v17  }
0x6f: {  	v31 =	vsel vm3, $0x3F800000, v4;
	v27 =	vld [tilespmem:s14+$0xB0];
	v29 =	vadd.f32 v30, v29;
	v30 =	vsel vm5, $0x3F800000, v4  }
0x70: {  	v19 =	vadd.f32 v19, v22;
	v22 =	vsel vm4, $0x3F800000, v4;
	v34 =	vld [tilespmem:s14+$0x30];
	v30 =	vadd.f32 v30, v28  }
0x71: {  	v24 =	vadd.f32 v31, v24;
	vm3 =	vge.f32 v23, v18;
	v28 =	vld [tilespmem:s14+$0x10];
	v31 =	vadd.f32 v22, v29  }
0x72: {  	v19 =	vadd.f32 v25, v19;
	vm4 =	vge.f32 v21, v17;
	vm5 =	vge.f32 v26, v18;
	v23 =	vld [tilespmem:s14+$0x80]  }
0x73: {  	v20 =	vadd.f32 v20, v24;
	v22 =	vsel vm3, $0x3F800000, v4;
	v24 =	vsel vm4, $0x3F800000, v4;
	v21 =	vld [tilespmem:s14+$0x90]  }
0x74: {  	v19 =	vadd.f32 v24, v19;
	vm4 =	vge.f32 v32, v17;
	v25 =	vld [tilespmem:s14+$0x0];
	vm3 =	vge.f32 v27, v17  }
0x75: {  	v24 =	vsel vm5, $0x3F800000, v4;
	v20 =	vadd.f32 v22, v20;
	v22 =	vsel vm4, $0x3F800000, v4;
	v26 =	vld [tilespmem:s14+$0xA0]  }
0x76: {  	v22 =	vadd.f32 v22, v19;
	vm5 =	vge.f32 v34, v18;
	vm4 =	vge.f32 v28, v18;
	v32 =	vld [tilespmem:s14+$0x50]  }
0x77: {  	v24 =	vadd.f32 v24, v20;
	v34 =	vsel vm5, $0x3F800000, v4;
	vm6 =	vge.f32 v23, v17;
	v35 =	vld [tilespmem:s14+$0xD0]  }
.Ltmp1:
0x78: {  	v29 =	vsel vm3, $0x3F800000, v4;
	v19 =	vsel vm6, $0x3F800000, v4;
	vm5 =	vge.f32 v21, v17;
	v28 =	vld [tilespmem:s14+$0x70];
	(pc) =	sbr.rel @p0 .LBB2_5-.Ltmp1, $4  }
0x79: {  	v20 =	vsel vm4, $0x3F800000, v4;
	vm4 =	vge.f32 v33, v18;
	vm3 =	vge.f32 v25, v18;
	v27 =	vld [tilespmem:s14+$0xF0]  }
0x7a: {  	v30 =	vadd.f32 v20, v30;
	v20 =	vsel vm4, $0x3F800000, v4;
	v21 =	vsel vm5, $0x3F800000, v4;
	v23 =	vld [tilespmem:s14+$0x40]  }
0x7b: {  	v31 =	vadd.f32 v21, v31;
	vm4 =	vge.f32 v26, v17;
	v21 =	vld [tilespmem:s14+$0xC0];
	vm5 =	vge.f32 v32, v18  }
0x7c: {  	v30 =	vadd.f32 v34, v30;
	v25 =	vsel vm4, $0x3F800000, v4;
	vm4 =	vge.f32 v35, v17;
	v26 =	vld [tilespmem:s14+$0x60]  }
0x7d: {  	v29 =	vadd.f32 v29, v31  }
0x7e: {  	v54 =	vsel vm5, $0x3F800000, v4;
	vm12 =	vge.f32 v28, v18;
	v55 =	vsel vm3, $0x3F800000, v4  }
0x7f: {  	v56 =	vsel vm4, $0x3F800000, v4;
	v19 =	vadd.f32 v19, v22;
	v24 =	vadd.f32 v55, v24  }
0x80: {  	v57 =	vld [tilespmem:s14+$0xE0];
	v30 =	vadd.f32 v54, v30;
	vm3 =	vge.f32 v27, v17;
	v59 =	vsel vm12, $0x3F800000, v4  }
0x81: {  	v58 =	vadd.f32 v56, v29;
	vm13 =	vge.f32 v23, v18;
	v20 =	vadd.f32 v20, v24  }
0x82: {  	v19 =	vadd.f32 v25, v19;
	v60 =	vsel vm3, $0x3F800000, v4;
	v23 =	vsel vm13, $0x3F800000, v4  }
0x83: {  	vm14 =	vge.f32 v21, v17;
	vm15 =	vge.f32 v26, v18;
	v20 =	vadd.f32 v23, v20  }
0x84: {  	v22 =	vadd.f32 v59, v30;
	v61 =	vsel vm14, $0x3F800000, v4;
	v62 =	vsel vm15, $0x3F800000, v4  }
0x85: {  	v19 =	vadd.f32 v61, v19;
	vm3 =	vge.f32 v57, v17;
	v20 =	vadd.f32 v62, v20  }
0x86: {  	v21 =	vadd.f32 v60, v58;
	v63 =	vsel vm3, $0x3F800000, v4  }
0x87: {  	v19 =	vadd.f32 v63, v19;
	v20 =	vadd.f32 v22, v20;
	_ =	sdelay $0x1  }
0x88: {  	v19 =	vadd.f32 v21, v19;
	v22 =	vperm.xlane v20, v0;
	_ =	sdelay $0x1  }
0x89: {  	v21 =	vperm.xlane v19, v0;
	v20 =	vadd.f32 v22, v20;
	_ =	sdelay $0x1  }
0x8a: {  	v19 =	vadd.f32 v21, v19;
	v22 =	vperm.xlane v20, v1;
	_ =	sdelay $0x1  }
0x8b: {  	v21 =	vperm.xlane v19, v1;
	v20 =	vadd.f32 v22, v20;
	_ =	sdelay $0x1  }
0x8c: {  	v19 =	vadd.f32 v21, v19;
	v22 =	vperm.xlane v20, v2;
	_ =	sdelay $0x1  }
0x8d: {  	v21 =	vperm.xlane v19, v2;
	v20 =	vadd.f32 v22, v20;
	_ =	sdelay $0x1  }
0x8e: {  	v19 =	vadd.f32 v21, v19;
	v22 =	vperm.xlane v20, v3  }
0x8f: {  	s13 =	sadd.s32 $0x1, s13  }
0x90: {  	p0 =	sne.s32 s13, $0xE;
	v21 =	vperm.xlane v19, v3;
	v20 =	vadd.f32 v22, v20  }
.Ltmp2:
0x91: {  	_ = 	snop;
	(pc) =	sbr.rel @p0 .LBB2_4-.Ltmp2, $4  }
0x92: {  	v19 =	vadd.f32 v21, v19;
	vm3 =	vge.f32 v20, v5  }
0x93: {  	v13 =	vsel vm3, v18, v13  }
0x94: {  	v14 =	vsel vm3, v14, v18;
	v12 =	vsel vm3, v20, v12;
	vm3 =	vge.f32 v19, v5  }
0x95: {  	v10 =	vsel vm3, v17, v10;
	v15 =	vsel vm3, v15, v17;
	v9 =	vsel vm3, v19, v9  }
0x96: {  	s14 =	simm.s32 $0x0  }
0x97: {  	v14 =	vld [tilespmem:s14+$0x0]  }
0x98: {  	v15 =	vld [tilespmem:s14+$0x80]  }
0x99: {  	v16 =	vld [tilespmem:s14+$0x10]  }
0x9a: {  	v17 =	vld [tilespmem:s14+$0x90]  }
0x9b: {  	v18 =	vld [tilespmem:s14+$0x20]  }
0x9c: {  	v19 =	vld [tilespmem:s14+$0xA0]  }
0x9d: {  	v20 =	vimm.f32 $0.0e+00;
	v21 =	vld [tilespmem:s14+$0x30];
	vm3 =	vge.f32 v14, v13;
	vm4 =	vge.f32 v15, v10  }
0x9e: {  	v22 =	vld [tilespmem:s14+$0xB0];
	v14 =	vnsel vm3, $0x0, v14;
	v15 =	vnsel vm4, $0x0, v15;
	vm3 =	vge.f32 v16, v13  }
0x9f: {  	v23 =	vld [tilespmem:s14+$0x40];
	vm4 =	vge.f32 v17, v10;
	v14 =	vadd.f32 v14, v20;
	v15 =	vadd.f32 v15, v20  }
0xa0: {  	v24 =	vld [tilespmem:s14+$0xC0];
	v16 =	vnsel vm3, $0x0, v16;
	v17 =	vnsel vm4, $0x0, v17;
	vm3 =	vge.f32 v18, v13  }
0xa1: {  	vm4 =	vge.f32 v19, v10;
	v20 =	vadd.f32 v16, v14;
	v15 =	vadd.f32 v17, v15;
	v14 =	vld [tilespmem:s14+$0x50]  }
0xa2: {  	v17 =	vnsel vm3, $0x0, v18;
	v18 =	vnsel vm4, $0x0, v19;
	vm3 =	vge.f32 v21, v13;
	v16 =	vld [tilespmem:s14+$0xD0]  }
0xa3: {  	vm4 =	vge.f32 v22, v10;
	v19 =	vadd.f32 v17, v20;
	v15 =	vadd.f32 v18, v15;
	v20 =	vld [tilespmem:s14+$0x60]  }
0xa4: {  	v18 =	vnsel vm3, $0x0, v21;
	v21 =	vnsel vm4, $0x0, v22;
	vm3 =	vge.f32 v23, v13;
	v17 =	vld [tilespmem:s14+$0xE0]  }
0xa5: {  	vm4 =	vge.f32 v24, v10;
	v22 =	vadd.f32 v18, v19;
	v21 =	vadd.f32 v21, v15;
	v19 =	vld [tilespmem:s14+$0x70]  }
0xa6: {  	s13 =	simm.s32 $0x200;
	v23 =	vnsel vm3, $0x0, v23;
	v24 =	vnsel vm4, $0x0, v24;
	v18 =	vld [tilespmem:s14+$0xF0];
	vm3 =	vge.f32 v14, v13  }
0xa7: {  	v15 =	vld [tilespmem:s13+$0x0];
	s14 =	simm.s32 $0x1000;
	vm4 =	vge.f32 v16, v10;
	v22 =	vadd.f32 v23, v22;
	v21 =	vadd.f32 v24, v21  }
.LBB2_8:
0xa8: {  	p0 =	sne.s32 s14, $0x7800;
	v23 =	vld [tilespmem:s13+$0x80];
	v14 =	vnsel vm3, $0x0, v14;
	v16 =	vnsel vm4, $0x0, v16;
	vm3 =	vge.f32 v20, v13  }
0xa9: {  	v24 =	vld [tilespmem:s13+$0x10];
	v14 =	vadd.f32 v14, v22;
	v16 =	vadd.f32 v16, v21;
	vm4 =	vge.f32 v17, v10  }
0xaa: {  	v20 =	vnsel vm3, $0x0, v20;
	v21 =	vld [tilespmem:s13+$0x90];
	v17 =	vnsel vm4, $0x0, v17;
	vm3 =	vge.f32 v19, v13  }
0xab: {  	v22 =	vld [tilespmem:s13+$0x20];
	v14 =	vadd.f32 v20, v14;
	v16 =	vadd.f32 v17, v16;
	vm4 =	vge.f32 v18, v10  }
0xac: {  	v19 =	vnsel vm3, $0x0, v19;
	vm5 =	vge.f32 v15, v13;
	v17 =	vld [tilespmem:s13+$0xA0];
	v18 =	vnsel vm4, $0x0, v18  }
0xad: {  	vm3 =	vge.f32 v23, v10;
	v25 =	vld [tilespmem:s13+$0x30];
	v14 =	vadd.f32 v19, v14;
	v16 =	vadd.f32 v18, v16  }
0xae: {  	v15 =	vnsel vm5, $0x0, v15;
	v18 =	vnsel vm3, $0x0, v23;
	vm3 =	vge.f32 v24, v13;
	v19 =	vld [tilespmem:s13+$0xB0]  }
0xaf: {  	v14 =	vadd.f32 v15, v14;
	v15 =	vadd.f32 v18, v16;
	vm4 =	vge.f32 v21, v10;
	v18 =	vld [tilespmem:s13+$0x40]  }
0xb0: {  	v16 =	vnsel vm3, $0x0, v24;
	v20 =	vnsel vm4, $0x0, v21;
	vm3 =	vge.f32 v22, v13;
	v21 =	vld [tilespmem:s13+$0xC0]  }
0xb1: {  	v23 =	vadd.f32 v16, v14;
	v15 =	vadd.f32 v20, v15;
	vm4 =	vge.f32 v17, v10;
	v14 =	vld [tilespmem:s13+$0x50]  }
0xb2: {  	v20 =	vnsel vm3, $0x0, v22;
	v17 =	vnsel vm4, $0x0, v17;
	vm3 =	vge.f32 v25, v13;
	v16 =	vld [tilespmem:s13+$0xD0]  }
.Ltmp3:
0xb3: {  	v22 =	vadd.f32 v20, v23;
	v15 =	vadd.f32 v17, v15;
	vm4 =	vge.f32 v19, v10;
	v20 =	vld [tilespmem:s13+$0x60];
	(pc) =	sbr.rel @p0 .LBB2_8-.Ltmp3, $4  }
0xb4: {  	v23 =	vnsel vm3, $0x0, v25;
	v19 =	vnsel vm4, $0x0, v19;
	vm3 =	vge.f32 v18, v13;
	v17 =	vld [tilespmem:s13+$0xE0]  }
0xb5: {  	v22 =	vadd.f32 v23, v22;
	v23 =	vadd.f32 v19, v15;
	vm4 =	vge.f32 v21, v10;
	v19 =	vld [tilespmem:s13+$0x70]  }
0xb6: {  	v24 =	vnsel vm3, $0x0, v18;
	v21 =	vnsel vm4, $0x0, v21;
	vm3 =	vge.f32 v14, v13;
	v18 =	vld [tilespmem:s13+$0xF0];
	s13 =	sshra.s32 s14, $0x2  }
0xb7: {  	s14 =	sadd.s32 $0x800, s14;
	v15 =	vld [tilespmem:s13+$0x0];
	v22 =	vadd.f32 v24, v22;
	v21 =	vadd.f32 v21, v23;
	vm4 =	vge.f32 v16, v10  }
0xb8: {  	v14 =	vnsel vm3, $0x0, v14  }
0xb9: {  	vm3 =	vge.f32 v20, v13;
	v14 =	vadd.f32 v14, v22  }
0xba: {  	v22 =	vld [tilespmem:s13+$0x10];
	v20 =	vnsel vm3, $0x0, v20  }
0xbb: {  	v23 =	vld [tilespmem:s13+$0x80];
	v16 =	vnsel vm4, $0x0, v16;
	vm3 =	vge.f32 v19, v13;
	v14 =	vadd.f32 v20, v14  }
0xbc: {  	v16 =	vadd.f32 v16, v21;
	vm8 =	vge.f32 v17, v10;
	v20 =	vld [tilespmem:s13+$0x20];
	v19 =	vnsel vm3, $0x0, v19  }
0xbd: {  	v21 =	vld [tilespmem:s13+$0x90];
	v17 =	vnsel vm8, $0x0, v17;
	vm3 =	vge.f32 v15, v13;
	v14 =	vadd.f32 v19, v14  }
0xbe: {  	v16 =	vadd.f32 v17, v16;
	vm9 =	vge.f32 v18, v10;
	v17 =	vld [tilespmem:s13+$0x30];
	v15 =	vnsel vm3, $0x0, v15  }
0xbf: {  	v18 =	vnsel vm9, $0x0, v18;
	v19 =	vld [tilespmem:s13+$0xA0];
	vm3 =	vge.f32 v22, v13;
	v14 =	vadd.f32 v15, v14  }
0xc0: {  	vm10 =	vge.f32 v23, v10;
	v15 =	vadd.f32 v18, v16;
	v16 =	vld [tilespmem:s13+$0x40];
	v18 =	vnsel vm3, $0x0, v22  }
0xc1: {  	v22 =	vnsel vm10, $0x0, v23;
	v23 =	vld [tilespmem:s13+$0xB0];
	vm3 =	vge.f32 v20, v13;
	v14 =	vadd.f32 v18, v14  }
0xc2: {  	vm11 =	vge.f32 v21, v10;
	v15 =	vadd.f32 v22, v15;
	v18 =	vld [tilespmem:s13+$0x50];
	v20 =	vnsel vm3, $0x0, v20  }
0xc3: {  	v21 =	vnsel vm11, $0x0, v21;
	v22 =	vld [tilespmem:s13+$0xC0];
	vm3 =	vge.f32 v17, v13;
	v14 =	vadd.f32 v20, v14  }
0xc4: {  	vm12 =	vge.f32 v19, v10;
	v17 =	vnsel vm3, $0x0, v17;
	v15 =	vadd.f32 v21, v15;
	v20 =	vld [tilespmem:s13+$0x60]  }
0xc5: {  	v19 =	vnsel vm12, $0x0, v19;
	v21 =	vld [tilespmem:s13+$0xD0];
	vm3 =	vge.f32 v16, v13;
	v14 =	vadd.f32 v17, v14  }
0xc6: {  	vm13 =	vge.f32 v23, v10;
	v15 =	vadd.f32 v19, v15;
	v17 =	vld [tilespmem:s13+$0x70];
	v16 =	vnsel vm3, $0x0, v16  }
0xc7: {  	v19 =	vnsel vm13, $0x0, v23;
	vm3 =	vge.f32 v18, v13;
	v14 =	vadd.f32 v16, v14  }
0xc8: {  	vm14 =	vge.f32 v22, v10;
	v16 =	vld [tilespmem:s13+$0xE0];
	v15 =	vadd.f32 v19, v15;
	v18 =	vnsel vm3, $0x0, v18  }
0xc9: {  	v19 =	vnsel vm14, $0x0, v22;
	vm3 =	vge.f32 v20, v13;
	v14 =	vadd.f32 v18, v14  }
0xca: {  	v18 =	vld [tilespmem:s13+$0xF0];
	v15 =	vadd.f32 v19, v15;
	v19 =	vnsel vm3, $0x0, v20  }
0xcb: {  	vm3 =	vge.f32 v21, v10;
	vm15 =	vge.f32 v17, v13;
	v14 =	vadd.f32 v19, v14  }
0xcc: {  	v19 =	vnsel vm3, $0x0, v21;
	v17 =	vnsel vm15, $0x0, v17  }
0xcd: {  	v15 =	vadd.f32 v19, v15;
	vm3 =	vge.f32 v16, v10;
	v14 =	vadd.f32 v17, v14  }
0xce: {  	v16 =	vnsel vm3, $0x0, v16  }
0xcf: {  	s14 =	simm.s32 $0x0;
	v15 =	vadd.f32 v16, v15;
	vm3 =	vge.f32 v18, v10;
	v16 =	vperm.xlane v14, v0  }
0xd0: {  	v20 =	vld [tilespmem:s14+$0x180];
	v17 =	vnsel vm3, $0x0, v18  }
0xd1: {  	v18 =	vld [tilespmem:s14+$0x100];
	v15 =	vadd.f32 v17, v15;
	v14 =	vadd.f32 v16, v14  }
0xd2: {  	v23 =	vld [tilespmem:s14+$0x190]  }
0xd3: {  	v17 =	vld [tilespmem:s14+$0x110];
	v19 =	vperm.xlane v15, v0;
	v16 =	vperm.xlane v14, v1  }
0xd4: {  	v24 =	vld [tilespmem:s14+$0x1A0]  }
0xd5: {  	v22 =	vimm.f32 $0.0e+00;
	v21 =	vld [tilespmem:s14+$0x120];
	v15 =	vadd.f32 v19, v15;
	v14 =	vadd.f32 v16, v14  }
0xd6: {  	v25 =	vld [tilespmem:s14+$0x130];
	v19 =	vadd.f32 v20, v22;
	v16 =	vadd.f32 v18, v22  }
0xd7: {  	v28 =	vld [tilespmem:s14+$0x1B0];
	v27 =	vperm.xlane v15, v1;
	v26 =	vperm.xlane v14, v2  }
0xd8: {  	v30 =	vld [tilespmem:s14+$0x140];
	v19 =	vadd.f32 v23, v19;
	v29 =	vadd.f32 v17, v16  }
0xd9: {  	v16 =	vadd.f32 v26, v14;
	v14 =	vadd.f32 v27, v15;
	v15 =	vmax.f32 v22, v18;
	v18 =	vld [tilespmem:s14+$0x1C0]  }
0xda: {  	v26 =	vadd.f32 v21, v29;
	v27 =	vadd.f32 v24, v19;
	v29 =	vld [tilespmem:s14+$0x150];
	v15 =	vmax.f32 v15, v17  }
0xdb: {  	v20 =	vmax.f32 v22, v20;
	v19 =	vld [tilespmem:s14+$0x1D0];
	v31 =	vperm.xlane v14, v2;
	v15 =	vmax.f32 v15, v21  }
0xdc: {  	v21 =	vld [tilespmem:s14+$0x160];
	v15 =	vmax.f32 v15, v25;
	v25 =	vadd.f32 v25, v26;
	v26 =	vadd.f32 v28, v27  }
0xdd: {  	v20 =	vmax.f32 v20, v23;
	v22 =	vld [tilespmem:s14+$0x1E0];
	v17 =	vperm.xlane v16, v3;
	v14 =	vadd.f32 v31, v14  }
0xde: {  	v23 =	vld [tilespmem:s14+$0x170];
	v27 =	vmax.f32 v15, v30;
	v30 =	vadd.f32 v30, v25;
	v31 =	vadd.f32 v18, v26  }
0xdf: {  	s13 =	simm.s32 $0x200;
	v26 =	vmax.f32 v20, v24;
	v25 =	vmax.f32 v27, v29;
	v24 =	vld [tilespmem:s14+$0x1F0];
	v15 =	vperm.xlane v14, v3  }
0xe0: {  	v20 =	vld [tilespmem:s13+$0x100];
	s14 =	simm.s32 $0x1000;
	v26 =	vmax.f32 v26, v28;
	v28 =	vadd.f32 v29, v30;
	v27 =	vadd.f32 v19, v31  }
.LBB2_10:
0xe1: {  	p0 =	sne.s32 s14, $0x7800;
	v29 =	vld [tilespmem:s13+$0x180];
	v18 =	vmax.f32 v26, v18;
	v25 =	vmax.f32 v25, v21  }
0xe2: {  	v26 =	vld [tilespmem:s13+$0x110];
	v18 =	vmax.f32 v18, v19;
	v19 =	vadd.f32 v21, v28;
	v21 =	vadd.f32 v22, v27  }
0xe3: {  	v27 =	vld [tilespmem:s13+$0x190];
	v18 =	vmax.f32 v18, v22;
	v22 =	vmax.f32 v25, v23  }
0xe4: {  	v25 =	vld [tilespmem:s13+$0x120];
	v19 =	vadd.f32 v23, v19;
	v23 =	vmax.f32 v18, v24;
	v18 =	vadd.f32 v24, v21  }
0xe5: {  	v24 =	vld [tilespmem:s13+$0x1A0]  }
0xe6: {  	v19 =	vadd.f32 v20, v19;
	v18 =	vadd.f32 v29, v18;
	v21 =	vld [tilespmem:s13+$0x130]  }
0xe7: {  	v28 =	vld [tilespmem:s13+$0x1B0]  }
0xe8: {  	v19 =	vadd.f32 v26, v19;
	v30 =	vadd.f32 v27, v18;
	v31 =	vld [tilespmem:s13+$0x140]  }
0xe9: {  	v20 =	vmax.f32 v22, v20;
	v18 =	vld [tilespmem:s13+$0x1C0]  }
0xea: {  	v20 =	vmax.f32 v20, v26;
	v22 =	vadd.f32 v25, v19;
	v26 =	vadd.f32 v24, v30;
	v30 =	vld [tilespmem:s13+$0x150]  }
0xeb: {  	v20 =	vmax.f32 v20, v25;
	v19 =	vld [tilespmem:s13+$0x1D0]  }
.Ltmp4:
0xec: {  	v20 =	vmax.f32 v20, v21;
	v25 =	vadd.f32 v21, v22;
	v26 =	vadd.f32 v28, v26;
	v21 =	vld [tilespmem:s13+$0x160];
	(pc) =	sbr.rel @p0 .LBB2_10-.Ltmp4, $4  }
0xed: {  	v23 =	vmax.f32 v23, v29;
	v20 =	vmax.f32 v20, v31;
	v22 =	vld [tilespmem:s13+$0x1E0]  }
0xee: {  	v27 =	vmax.f32 v23, v27;
	v29 =	vadd.f32 v31, v25;
	v31 =	vadd.f32 v18, v26;
	v23 =	vld [tilespmem:s13+$0x170]  }
0xef: {  	v26 =	vmax.f32 v27, v24;
	v25 =	vmax.f32 v20, v30;
	v24 =	vld [tilespmem:s13+$0x1F0];
	s13 =	sshra.s32 s14, $0x2  }
0xf0: {  	s14 =	sadd.s32 $0x800, s14;
	v26 =	vmax.f32 v26, v28;
	v20 =	vld [tilespmem:s13+$0x100];
	v28 =	vadd.f32 v30, v29;
	v27 =	vadd.f32 v19, v31  }
0xf1: {  	_ = 	snop  }
0xf2: {  	v29 =	vld [tilespmem:s13+$0x180];
	v28 =	vadd.f32 v21, v28  }
0xf3: {  	v30 =	vld [tilespmem:s13+$0x110];
	v27 =	vadd.f32 v22, v27  }
0xf4: {  	v31 =	vld [tilespmem:s13+$0x190];
	v28 =	vadd.f32 v23, v28  }
0xf5: {  	v32 =	vld [tilespmem:s13+$0x120];
	v27 =	vadd.f32 v24, v27  }
0xf6: {  	v33 =	vld [tilespmem:s13+$0x1A0];
	v28 =	vadd.f32 v20, v28  }
0xf7: {  	v34 =	vld [tilespmem:s13+$0x130];
	v27 =	vadd.f32 v29, v27  }
0xf8: {  	v35 =	vld [tilespmem:s13+$0x1B0];
	v28 =	vadd.f32 v30, v28  }
0xf9: {  	v36 =	vld [tilespmem:s13+$0x140];
	v27 =	vadd.f32 v31, v27  }
0xfa: {  	v37 =	vld [tilespmem:s13+$0x1C0];
	v28 =	vadd.f32 v32, v28  }
0xfb: {  	v38 =	vld [tilespmem:s13+$0x150];
	v27 =	vadd.f32 v33, v27  }
0xfc: {  	v39 =	vld [tilespmem:s13+$0x1D0];
	v28 =	vadd.f32 v34, v28  }
0xfd: {  	v18 =	vmax.f32 v26, v18;
	v26 =	vadd.f32 v35, v27;
	v27 =	vld [tilespmem:s13+$0x160]  }
0xfe: {  	v21 =	vmax.f32 v25, v21;
	v18 =	vmax.f32 v18, v19;
	v19 =	vld [tilespmem:s13+$0x1E0];
	v25 =	vadd.f32 v36, v28  }
0xff: {  	v18 =	vmax.f32 v18, v22;
	v21 =	vmax.f32 v21, v23;
	v23 =	vld [tilespmem:s13+$0x170];
	v22 =	vadd.f32 v37, v26  }
0x100: {  	v18 =	vmax.f32 v18, v24;
	v20 =	vmax.f32 v21, v20;
	v21 =	vld [tilespmem:s13+$0x1F0];
	v24 =	vadd.f32 v38, v25  }
0x101: {  	v18 =	vmax.f32 v18, v29;
	v20 =	vmax.f32 v20, v30;
	v22 =	vadd.f32 v39, v22  }
0x102: {  	v18 =	vmax.f32 v18, v31;
	v20 =	vmax.f32 v20, v32;
	v24 =	vadd.f32 v27, v24  }
0x103: {  	v18 =	vmax.f32 v18, v33;
	v20 =	vmax.f32 v20, v34;
	v22 =	vadd.f32 v19, v22  }
0x104: {  	v18 =	vmax.f32 v18, v35;
	v20 =	vmax.f32 v20, v36;
	v24 =	vadd.f32 v23, v24  }
0x105: {  	v18 =	vmax.f32 v18, v37;
	v20 =	vmax.f32 v20, v38;
	v22 =	vadd.f32 v21, v22  }
0x106: {  	v18 =	vmax.f32 v18, v39;
	v20 =	vmax.f32 v20, v27;
	v25 =	vperm.xlane v24, v0  }
0x107: {  	v18 =	vmax.f32 v18, v19;
	v19 =	vmax.f32 v20, v23;
	v20 =	vperm.xlane v22, v0  }
0x108: {  	v18 =	vmax.f32 v18, v21;
	v23 =	vperm.xlane v19, v0;
	v21 =	vadd.f32 v25, v24  }
0x109: {  	v20 =	vadd.f32 v20, v22;
	v22 =	vperm.xlane v18, v0  }
0x10a: {  	v19 =	vmax.f32 v19, v23;
	v24 =	vperm.xlane v21, v1  }
0x10b: {  	v25 =	vperm.xlane v19, v1;
	v23 =	vperm.xlane v20, v1;
	v18 =	vmax.f32 v18, v22  }
0x10c: {  	v22 =	vperm.xlane v18, v1;
	v21 =	vadd.f32 v24, v21  }
0x10d: {  	v19 =	vmax.f32 v19, v25;
	v23 =	vadd.f32 v23, v20  }
0x10e: {  	v24 =	vperm.xlane v19, v2;
	v22 =	vmax.f32 v18, v22;
	v20 =	vperm.xlane v21, v2  }
0x10f: {  	v18 =	vperm.xlane v23, v2;
	v25 =	vperm.xlane v22, v2  }
0x110: {  	v20 =	vadd.f32 v20, v21  }
0x111: {  	v21 =	vmax.f32 v19, v24;
	v18 =	vadd.f32 v18, v23;
	v24 =	vmax.f32 v22, v25  }
0x112: {  	v23 =	vperm.xlane v21, v3;
	v25 =	vperm.xlane v24, v3  }
0x113: {  	v28 =	vimm.f32 $0.0e+00;
	v22 =	vperm.xlane v20, v3;
	v19 =	vperm.xlane v18, v3  }
0x114: {  	v26 =	vmax.f32 v21, v23;
	v27 =	vmax.f32 v24, v25;
	v21 =	vimm.f32 $2.048000000e+03  }
0x115: {  	s13 =	simm.s32 $0x0;
	v24 =	vimm.f32 $2.048000000e+03;
	v23 =	vimm.f32 $0.0e+00;
	v25 =	vimm.f32 $0.0e+00  }
.LBB2_12:
0x116: {  	s14 =	simm.s32 $0x0  }
0x117: {  	v31 =	vld [tilespmem:s14+$0x1B0]  }
0x118: {  	v32 =	vld [tilespmem:s14+$0x130]  }
0x119: {  	v33 =	vld [tilespmem:s14+$0x110]  }
0x11a: {  	v29 =	vadd.f32 v27, v23;
	v34 =	vld [tilespmem:s14+$0x180]  }
0x11b: {  	v30 =	vadd.f32 v26, v25;
	v35 =	vld [tilespmem:s14+$0x190]  }
0x11c: {  	v36 =	vld [tilespmem:s14+$0x100];
	v29 =	vmul.f32 $5.000000000e-01, v29  }
0x11d: {  	v37 =	vld [tilespmem:s14+$0x120];
	v30 =	vmul.f32 $5.000000000e-01, v30  }
0x11e: {  	v38 =	vld [tilespmem:s14+$0x1A0];
	vm3 =	vge.f32 v31, v29  }
0x11f: {  	v42 =	vld [tilespmem:s14+$0x150];
	vm4 =	vge.f32 v33, v30;
	vm5 =	vge.f32 v32, v30;
	vm6 =	vge.f32 v34, v29  }
0x120: {  	v44 =	vld [tilespmem:s14+$0x1D0];
	v34 =	vimm.f32 $0.0e+00;
	v60 =	vsel vm5, $0x3F800000, v4;
	v31 =	vsel vm6, $0x3F800000, v4  }
0x121: {  	v40 =	vld [tilespmem:s14+$0x170];
	vm5 =	vge.f32 v35, v29;
	v41 =	vsel vm3, $0x3F800000, v4;
	vm3 =	vge.f32 v36, v30  }
0x122: {  	v39 =	vld [tilespmem:s14+$0x1F0];
	v61 =	vsel vm4, $0x3F800000, v4;
	vm4 =	vge.f32 v37, v30;
	v36 =	vimm.f32 $0.0e+00  }
0x123: {  	v33 =	vld [tilespmem:s14+$0x1C0];
	v62 =	vadd.f32 v61, v28;
	v63 =	vsel vm5, $0x3F800000, v4;
	v32 =	vsel vm4, $0x3F800000, v4  }
0x124: {  	v35 =	vld [tilespmem:s14+$0x140];
	vm4 =	vge.f32 v38, v29;
	vm5 =	vge.f32 v42, v30;
	v43 =	vadd.f32 v63, v28  }
0x125: {  	s15 =	simm.s32 $0x800;
	v38 =	vld [tilespmem:s14+$0x160];
	v37 =	vsel vm4, $0x3F800000, v4;
	vm4 =	vge.f32 v44, v29;
	v42 =	vadd.f32 v60, v62  }
.LBB2_13:
0x126: {  	p0 =	sne.s32 s15, $0x7800;
	v41 =	vadd.f32 v41, v43;
	v43 =	vsel vm5, $0x3F800000, v4;
	v44 =	vld [tilespmem:s14+$0x1E0];
	s14 =	sshra.s32 s15, $0x2;
	s15 =	sadd.s32 $0x800, s15;
	vm5 =	vge.f32 v40, v30  }
0x127: {  	v45 =	vld [tilespmem:s14+$0x120];
	v40 =	vadd.f32 v43, v42;
	v42 =	vsel vm4, $0x3F800000, v4;
	vm4 =	vge.f32 v39, v29  }
0x128: {  	v43 =	vsel vm3, $0x3F800000, v4;
	v39 =	vld [tilespmem:s14+$0x1B0];
	v41 =	vadd.f32 v42, v41;
	v42 =	vsel vm5, $0x3F800000, v4  }
0x129: {  	v31 =	vadd.f32 v31, v34;
	v34 =	vsel vm4, $0x3F800000, v4;
	v46 =	vld [tilespmem:s14+$0x130];
	v42 =	vadd.f32 v42, v40  }
0x12a: {  	v36 =	vadd.f32 v43, v36;
	vm3 =	vge.f32 v35, v30;
	v40 =	vld [tilespmem:s14+$0x110];
	v43 =	vadd.f32 v34, v41  }
0x12b: {  	v31 =	vadd.f32 v37, v31;
	vm4 =	vge.f32 v33, v29;
	vm5 =	vge.f32 v38, v30;
	v35 =	vld [tilespmem:s14+$0x180]  }
0x12c: {  	v32 =	vadd.f32 v32, v36;
	v34 =	vsel vm3, $0x3F800000, v4;
	v36 =	vsel vm4, $0x3F800000, v4;
	v33 =	vld [tilespmem:s14+$0x190]  }
0x12d: {  	v31 =	vadd.f32 v36, v31;
	vm4 =	vge.f32 v44, v29;
	v37 =	vld [tilespmem:s14+$0x100];
	vm3 =	vge.f32 v39, v29  }
0x12e: {  	v36 =	vsel vm5, $0x3F800000, v4;
	v32 =	vadd.f32 v34, v32;
	v34 =	vsel vm4, $0x3F800000, v4;
	v38 =	vld [tilespmem:s14+$0x1A0]  }
0x12f: {  	v34 =	vadd.f32 v34, v31;
	vm5 =	vge.f32 v46, v30;
	vm4 =	vge.f32 v40, v30;
	v44 =	vld [tilespmem:s14+$0x150]  }
0x130: {  	v36 =	vadd.f32 v36, v32;
	v46 =	vsel vm5, $0x3F800000, v4;
	vm6 =	vge.f32 v35, v29;
	v47 =	vld [tilespmem:s14+$0x1D0]  }
.Ltmp5:
0x131: {  	v41 =	vsel vm3, $0x3F800000, v4;
	v31 =	vsel vm6, $0x3F800000, v4;
	vm5 =	vge.f32 v33, v29;
	v40 =	vld [tilespmem:s14+$0x170];
	(pc) =	sbr.rel @p0 .LBB2_13-.Ltmp5, $4  }
0x132: {  	v32 =	vsel vm4, $0x3F800000, v4;
	vm4 =	vge.f32 v45, v30;
	vm3 =	vge.f32 v37, v30;
	v39 =	vld [tilespmem:s14+$0x1F0]  }
0x133: {  	v42 =	vadd.f32 v32, v42;
	v32 =	vsel vm4, $0x3F800000, v4;
	v33 =	vsel vm5, $0x3F800000, v4;
	v35 =	vld [tilespmem:s14+$0x140]  }
0x134: {  	v43 =	vadd.f32 v33, v43;
	vm4 =	vge.f32 v38, v29;
	v33 =	vld [tilespmem:s14+$0x1C0];
	vm5 =	vge.f32 v44, v30  }
0x135: {  	v42 =	vadd.f32 v46, v42;
	v37 =	vsel vm4, $0x3F800000, v4;
	vm4 =	vge.f32 v47, v29;
	v38 =	vld [tilespmem:s14+$0x160]  }
0x136: {  	v41 =	vadd.f32 v41, v43  }
0x137: {  	v54 =	vsel vm5, $0x3F800000, v4;
	vm12 =	vge.f32 v40, v30;
	v55 =	vsel vm3, $0x3F800000, v4  }
0x138: {  	v56 =	vsel vm4, $0x3F800000, v4;
	v31 =	vadd.f32 v31, v34;
	v36 =	vadd.f32 v55, v36  }
0x139: {  	v57 =	vld [tilespmem:s14+$0x1E0];
	v42 =	vadd.f32 v54, v42;
	vm3 =	vge.f32 v39, v29;
	v59 =	vsel vm12, $0x3F800000, v4  }
0x13a: {  	v58 =	vadd.f32 v56, v41;
	vm13 =	vge.f32 v35, v30;
	v32 =	vadd.f32 v32, v36  }
0x13b: {  	v31 =	vadd.f32 v37, v31;
	v60 =	vsel vm3, $0x3F800000, v4;
	v35 =	vsel vm13, $0x3F800000, v4  }
0x13c: {  	vm14 =	vge.f32 v33, v29;
	vm15 =	vge.f32 v38, v30;
	v32 =	vadd.f32 v35, v32  }
0x13d: {  	v34 =	vadd.f32 v59, v42;
	v61 =	vsel vm14, $0x3F800000, v4;
	v62 =	vsel vm15, $0x3F800000, v4  }
0x13e: {  	v31 =	vadd.f32 v61, v31;
	vm3 =	vge.f32 v57, v29;
	v32 =	vadd.f32 v62, v32  }
0x13f: {  	v33 =	vadd.f32 v60, v58;
	v63 =	vsel vm3, $0x3F800000, v4  }
0x140: {  	v31 =	vadd.f32 v63, v31;
	v32 =	vadd.f32 v34, v32;
	_ =	sdelay $0x1  }
0x141: {  	v31 =	vadd.f32 v33, v31;
	v34 =	vperm.xlane v32, v0;
	_ =	sdelay $0x1  }
0x142: {  	v33 =	vperm.xlane v31, v0;
	v32 =	vadd.f32 v34, v32;
	_ =	sdelay $0x1  }
0x143: {  	v31 =	vadd.f32 v33, v31;
	v34 =	vperm.xlane v32, v1;
	_ =	sdelay $0x1  }
0x144: {  	v33 =	vperm.xlane v31, v1;
	v32 =	vadd.f32 v34, v32;
	_ =	sdelay $0x1  }
0x145: {  	v31 =	vadd.f32 v33, v31;
	v34 =	vperm.xlane v32, v2;
	_ =	sdelay $0x1  }
0x146: {  	v33 =	vperm.xlane v31, v2;
	v32 =	vadd.f32 v34, v32;
	_ =	sdelay $0x1  }
0x147: {  	v31 =	vadd.f32 v33, v31;
	v34 =	vperm.xlane v32, v3  }
0x148: {  	s13 =	sadd.s32 $0x1, s13  }
0x149: {  	p0 =	sne.s32 s13, $0xE;
	v33 =	vperm.xlane v31, v3;
	v32 =	vadd.f32 v34, v32  }
.Ltmp6:
0x14a: {  	_ = 	snop;
	(pc) =	sbr.rel @p0 .LBB2_12-.Ltmp6, $4  }
0x14b: {  	v31 =	vadd.f32 v33, v31;
	vm3 =	vge.f32 v32, v5  }
0x14c: {  	v25 =	vsel vm3, v30, v25  }
0x14d: {  	v26 =	vsel vm3, v26, v30;
	v24 =	vsel vm3, v32, v24;
	vm3 =	vge.f32 v31, v5  }
0x14e: {  	v23 =	vsel vm3, v29, v23;
	v27 =	vsel vm3, v27, v29;
	v21 =	vsel vm3, v31, v21  }
0x14f: {  	s14 =	simm.s32 $0x0  }
0x150: {  	v26 =	vld [tilespmem:s14+$0x100]  }
0x151: {  	v27 =	vld [tilespmem:s14+$0x180]  }
0x152: {  	v28 =	vld [tilespmem:s14+$0x110]  }
0x153: {  	v29 =	vld [tilespmem:s14+$0x190]  }
0x154: {  	v30 =	vld [tilespmem:s14+$0x120]  }
0x155: {  	v31 =	vld [tilespmem:s14+$0x1A0]  }
0x156: {  	v32 =	vimm.f32 $0.0e+00;
	v33 =	vld [tilespmem:s14+$0x130];
	vm3 =	vge.f32 v26, v25;
	vm4 =	vge.f32 v27, v23  }
0x157: {  	v34 =	vld [tilespmem:s14+$0x1B0];
	v26 =	vnsel vm3, $0x0, v26;
	v27 =	vnsel vm4, $0x0, v27;
	vm3 =	vge.f32 v28, v25  }
0x158: {  	v35 =	vld [tilespmem:s14+$0x1C0];
	vm4 =	vge.f32 v29, v23;
	v26 =	vadd.f32 v26, v32;
	v27 =	vadd.f32 v27, v32  }
0x159: {  	v60 =	vld [tilespmem:s14+$0x140];
	v28 =	vnsel vm3, $0x0, v28;
	v29 =	vnsel vm4, $0x0, v29;
	vm3 =	vge.f32 v30, v25  }
0x15a: {  	vm4 =	vge.f32 v31, v23;
	v26 =	vadd.f32 v28, v26;
	v27 =	vadd.f32 v29, v27;
	v29 =	vld [tilespmem:s14+$0x150]  }
0x15b: {  	v30 =	vnsel vm3, $0x0, v30;
	v31 =	vnsel vm4, $0x0, v31;
	vm3 =	vge.f32 v33, v25;
	v28 =	vld [tilespmem:s14+$0x1D0]  }
0x15c: {  	vm4 =	vge.f32 v34, v23;
	v36 =	vadd.f32 v30, v26;
	v27 =	vadd.f32 v31, v27;
	v30 =	vld [tilespmem:s14+$0x160]  }
0x15d: {  	v61 =	vnsel vm4, $0x0, v34;
	vm4 =	vge.f32 v35, v23;
	v31 =	vnsel vm3, $0x0, v33;
	v26 =	vld [tilespmem:s14+$0x1E0]  }
0x15e: {  	vm3 =	vge.f32 v60, v25;
	v62 =	vadd.f32 v31, v36;
	v33 =	vadd.f32 v61, v27;
	v31 =	vld [tilespmem:s14+$0x170]  }
0x15f: {  	s13 =	simm.s32 $0x200;
	v35 =	vnsel vm4, $0x0, v35;
	v63 =	vnsel vm3, $0x0, v60;
	v27 =	vld [tilespmem:s14+$0x1F0];
	vm4 =	vge.f32 v29, v25  }
0x160: {  	v32 =	vld [tilespmem:s13+$0x100];
	s14 =	simm.s32 $0x1000;
	vm3 =	vge.f32 v28, v23;
	v34 =	vadd.f32 v63, v62;
	v33 =	vadd.f32 v35, v33  }
.LBB2_16:
0x161: {  	p0 =	sne.s32 s14, $0x7800;
	v35 =	vld [tilespmem:s13+$0x180];
	v29 =	vnsel vm4, $0x0, v29;
	v28 =	vnsel vm3, $0x0, v28;
	vm3 =	vge.f32 v30, v25  }
0x162: {  	v36 =	vld [tilespmem:s13+$0x110];
	v29 =	vadd.f32 v29, v34;
	v28 =	vadd.f32 v28, v33;
	vm4 =	vge.f32 v26, v23  }
0x163: {  	v30 =	vnsel vm3, $0x0, v30;
	v33 =	vld [tilespmem:s13+$0x190];
	v26 =	vnsel vm4, $0x0, v26;
	vm3 =	vge.f32 v31, v25  }
0x164: {  	v34 =	vld [tilespmem:s13+$0x120];
	v29 =	vadd.f32 v30, v29;
	v26 =	vadd.f32 v26, v28;
	vm4 =	vge.f32 v27, v23  }
0x165: {  	v30 =	vnsel vm3, $0x0, v31;
	vm5 =	vge.f32 v32, v25;
	v28 =	vld [tilespmem:s13+$0x1A0];
	v27 =	vnsel vm4, $0x0, v27  }
0x166: {  	vm3 =	vge.f32 v35, v23;
	v31 =	vld [tilespmem:s13+$0x130];
	v29 =	vadd.f32 v30, v29;
	v26 =	vadd.f32 v27, v26  }
0x167: {  	v27 =	vnsel vm5, $0x0, v32;
	v30 =	vnsel vm3, $0x0, v35;
	vm3 =	vge.f32 v36, v25;
	v32 =	vld [tilespmem:s13+$0x1B0]  }
0x168: {  	v27 =	vadd.f32 v27, v29;
	v26 =	vadd.f32 v30, v26;
	vm4 =	vge.f32 v33, v23;
	v35 =	vld [tilespmem:s13+$0x140]  }
0x169: {  	v29 =	vnsel vm3, $0x0, v36;
	v30 =	vnsel vm4, $0x0, v33;
	vm3 =	vge.f32 v34, v25;
	v33 =	vld [tilespmem:s13+$0x1C0]  }
0x16a: {  	v27 =	vadd.f32 v29, v27;
	v26 =	vadd.f32 v30, v26;
	vm4 =	vge.f32 v28, v23;
	v29 =	vld [tilespmem:s13+$0x150]  }
0x16b: {  	v30 =	vnsel vm3, $0x0, v34;
	v34 =	vnsel vm4, $0x0, v28;
	vm3 =	vge.f32 v31, v25;
	v28 =	vld [tilespmem:s13+$0x1D0]  }
.Ltmp7:
0x16c: {  	v27 =	vadd.f32 v30, v27;
	v34 =	vadd.f32 v34, v26;
	vm4 =	vge.f32 v32, v23;
	v30 =	vld [tilespmem:s13+$0x160];
	(pc) =	sbr.rel @p0 .LBB2_16-.Ltmp7, $4  }
0x16d: {  	v31 =	vnsel vm3, $0x0, v31;
	v32 =	vnsel vm4, $0x0, v32;
	vm3 =	vge.f32 v35, v25;
	v26 =	vld [tilespmem:s13+$0x1E0]  }
0x16e: {  	v36 =	vadd.f32 v31, v27;
	v37 =	vadd.f32 v32, v34;
	vm4 =	vge.f32 v33, v23;
	v31 =	vld [tilespmem:s13+$0x170]  }
0x16f: {  	v34 =	vnsel vm3, $0x0, v35;
	v33 =	vnsel vm4, $0x0, v33;
	vm4 =	vge.f32 v29, v25;
	v27 =	vld [tilespmem:s13+$0x1F0];
	s13 =	sshra.s32 s14, $0x2  }
0x170: {  	s14 =	sadd.s32 $0x800, s14;
	v32 =	vld [tilespmem:s13+$0x100];
	v34 =	vadd.f32 v34, v36;
	v33 =	vadd.f32 v33, v37;
	vm3 =	vge.f32 v28, v23  }
0x171: {  	v29 =	vnsel vm4, $0x0, v29  }
0x172: {  	vm15 =	vge.f32 v30, v25;
	v29 =	vadd.f32 v29, v34  }
0x173: {  	v35 =	vld [tilespmem:s13+$0x110];
	v30 =	vnsel vm15, $0x0, v30  }
0x174: {  	vm8 =	vge.f32 v31, v25;
	v29 =	vadd.f32 v30, v29  }
0x175: {  	v50 =	vld [tilespmem:s13+$0x120];
	v51 =	vnsel vm8, $0x0, v31  }
0x176: {  	vm9 =	vge.f32 v32, v25;
	v29 =	vadd.f32 v51, v29  }
0x177: {  	v52 =	vld [tilespmem:s13+$0x130];
	v54 =	vmul.f32 v13, v5;
	v53 =	vnsel vm9, $0x0, v32  }
0x178: {  	v16 =	vadd.f32 v17, v16;
	vm10 =	vge.f32 v35, v25;
	v29 =	vadd.f32 v53, v29  }
0x179: {  	v55 =	vld [tilespmem:s13+$0x140];
	v12 =	vmul.f32 v12, v13;
	v56 =	vnsel vm10, $0x0, v35  }
0x17a: {  	v16 =	vadd.f32 v16, v54;
	vm11 =	vge.f32 v50, v25;
	v29 =	vadd.f32 v56, v29  }
0x17b: {  	v57 =	vld [tilespmem:s13+$0x150];
	v58 =	vnsel vm11, $0x0, v50  }
0x17c: {  	v12 =	vsub.f32 v16, v12;
	vm12 =	vge.f32 v52, v25;
	v29 =	vadd.f32 v58, v29  }
0x17d: {  	v59 =	vnsel vm3, $0x0, v28;
	v60 =	vld [tilespmem:s13+$0x160];
	v30 =	vnsel vm12, $0x0, v52  }
0x17e: {  	vm3 =	vge.f32 v55, v25;
	(erf) = vrcp.f32 v12;
	v29 =	vadd.f32 v30, v29  }
0x17f: {  	v63 =	vld [tilespmem:s13+$0x170];
	v8 =	vadd.f32 v11, v8;
	v17 =	vnsel vm3, $0x0, v55  }
0x180: {  	v61 =	vld [tilespmem:s13+$0x180];
	v40 =	vmul.f32 v10, v5;
	vm3 =	vge.f32 v57, v25;
	v17 =	vadd.f32 v17, v29  }
0x181: {  	v62 =	vadd.f32 v59, v33;
	vm13 =	vge.f32 v26, v23;
	v13 =	vnsel vm3, $0x0, v57  }
0x182: {  	v26 =	vnsel vm13, $0x0, v26;
	v32 =	vld [tilespmem:s13+$0x190];
	vm3 =	vge.f32 v60, v25;
	v13 =	vadd.f32 v13, v17  }
0x183: {  	vm14 =	vge.f32 v27, v23;
	v12 =	vadd.f32 v26, v62;
	v34 =	vnsel vm3, $0x0, v60  }
0x184: {  	v33 =	vnsel vm14, $0x0, v27;
	v35 =	vld [tilespmem:s13+$0x1A0];
	vm3 =	vge.f32 v63, v25;
	v13 =	vadd.f32 v34, v13  }
0x185: {  	vm15 =	vge.f32 v61, v23;
	v12 =	vadd.f32 v33, v12;
	v16 =	vnsel vm3, $0x0, v63  }
0x186: {  	v37 =	vld [tilespmem:s13+$0x1B0];
	v14 =	vadd.f32 v15, v14;
	v36 =	vnsel vm15, $0x0, v61;
	v13 =	vadd.f32 v16, v13  }
0x187: {  	v9 =	vmul.f32 v9, v10;
	v12 =	vadd.f32 v36, v12;
	vm3 =	vge.f32 v32, v23;
	v39 =	vpop (erf)  }
0x188: {  	v41 =	vld [tilespmem:s13+$0x1C0];
	v38 =	vnsel vm3, $0x0, v32;
	v8 =	vmul.f32 v39, v8;
	v42 =	vperm.xlane v13, v0  }
0x189: {  	v14 =	vadd.f32 v14, v40;
	vm3 =	vge.f32 v35, v23;
	v11 =	vadd.f32 v38, v12  }
0x18a: {  	v44 =	vld [tilespmem:s13+$0x1D0];
	v43 =	vnsel vm3, $0x0, v35;
	v8 =	vmul.f32 $1.442695020e+00, v8;
	v12 =	vadd.f32 v42, v13  }
0x18b: {  	v9 =	vsub.f32 v14, v9;
	vm3 =	vge.f32 v37, v23;
	v10 =	vadd.f32 v43, v11  }
0x18c: {  	v46 =	vld [tilespmem:s13+$0x1E0];
	v45 =	vnsel vm3, $0x0, v37;
	(erf) = vpow2.f32 v8;
	v47 =	vperm.xlane v12, v1  }
0x18d: {  	vm3 =	vge.f32 v41, v23;
	v10 =	vadd.f32 v45, v10;
	(erf) = vrcp.f32 v9  }
0x18e: {  	v49 =	vld [tilespmem:s13+$0x1F0];
	v48 =	vnsel vm3, $0x0, v41;
	v8 =	vadd.f32 v47, v12  }
0x18f: {  	vm3 =	vge.f32 v44, v23;
	v9 =	vadd.f32 v48, v10  }
0x190: {  	v50 =	vnsel vm3, $0x0, v44;
	v12 =	vperm.xlane v8, v2  }
0x191: {  	vm3 =	vge.f32 v46, v23;
	v9 =	vadd.f32 v50, v9  }
0x192: {  	v51 =	vnsel vm3, $0x0, v46;
	v8 =	vadd.f32 v12, v8  }
0x193: {  	vm3 =	vge.f32 v49, v23;
	v9 =	vadd.f32 v51, v9  }
0x194: {  	v52 =	vnsel vm3, $0x0, v49;
	v53 =	vperm.xlane v8, v3  }
0x195: {  	v6 =	vadd.f32 v7, v6;
	v9 =	vadd.f32 v52, v9;
	v7 =	vpop (erf)  }
0x196: {  	v55 =	vmul.f32 v25, v5;
	v54 =	vpop (erf);
	v8 =	vadd.f32 v53, v8  }
0x197: {  	v56 =	vperm.xlane v9, v0;
	v6 =	vmul.f32 v54, v6  }
0x198: {  	v57 =	vmul.f32 v24, v25;
	v8 =	vadd.f32 v8, v55  }
0x199: {  	v9 =	vadd.f32 v56, v9;
	v6 =	vmul.f32 $1.442695020e+00, v6  }
0x19a: {  	v8 =	vsub.f32 v8, v57  }
0x19b: {  	(erf) = vpow2.f32 v6;
	v6 =	vperm.xlane v9, v1  }
0x19c: {  	(erf) = vrcp.f32 v8  }
0x19d: {  	v6 =	vadd.f32 v6, v9;
	_ =	sdelay $0x1  }
0x19e: {  	v58 =	vperm.xlane v6, v2;
	_ =	sdelay $0x1  }
0x19f: {  	v6 =	vadd.f32 v58, v6;
	_ =	sdelay $0x1  }
0x1a0: {  	v8 =	vperm.xlane v6, v3  }
0x1a1: {  	v60 =	vadd.f32 v22, v20;
	v59 =	vpop (erf)  }
0x1a2: {  	v5 =	vmul.f32 v23, v5;
	v6 =	vadd.f32 v8, v6;
	v61 =	vpop (erf)  }
0x1a3: {  	v62 =	vmul.f32 v61, v60  }
0x1a4: {  	v5 =	vadd.f32 v6, v5;
	v6 =	vmul.f32 v21, v23  }
0x1a5: {  	v8 =	vmul.f32 $1.442695020e+00, v62  }
0x1a6: {  	v5 =	vsub.f32 v5, v6  }
0x1a7: {  	(erf) = vpow2.f32 v8  }
0x1a8: {  	(erf) = vrcp.f32 v5;
	_ =	sdelay $0x7  }
0x1a9: {  	v6 =	vadd.f32 v19, v18;
	v5 =	vpop (erf)  }
0x1aa: {  	v63 =	vpop (erf)  }
0x1ab: {  	v6 =	vmul.f32 v63, v6;
	_ =	sdelay $0x1  }
0x1ac: {  	v6 =	vmul.f32 $1.442695020e+00, v6;
	_ =	sdelay $0x1  }
0x1ad: {  	(erf) = vpow2.f32 v6;
	_ =	sdelay $0x3  }
0x1ae: {  	vm3 =	vmmov $0x1  }
0x1af: {  	v6 =	vnsel vm3, $0x0, v7  }
0x1b0: {  	v6 =	vsel vm0, v6, v59;
	_ =	sdelay $0x2  }
0x1b1: {  	s12 =	sadd.s32 $0x1, s12;
	v5 =	vsel vm1, v6, v5;
	v6 =	vpop (erf)  }
0x1b2: {  	p0 =	sne.s32 s12, s6;
	v5 =	vsel vm2, v5, v6  }
.Ltmp8:
0x1b3: {  	[tilespmem:$0x2080] =	vst v5;
	(pc) =	sbr.rel @p0 .LBB2_1-.Ltmp8, $4  }
0x1b4: {  	[hbm4b:s5+s1] =	stream.linear.scatter [tilespmem:s11], [sflag:$0x1], $0x80, $0x38;
	[tilespmem:$0x2100] =	vst v63  }
0x1b5: {  	_ =	swait.ge [sflag:s9], $0x80  }
0x1b6: {  	[sflag:s9] =	ssyncset.done $0x0  }
0x1b7: {  	[sflag:s9] =	ssyncadd.s32 $0xFFFFFF80  }
0x1b8: {  	_ =	sfence.sel $0x180000  }
0x1b9: {  	[bflag:$0x0] =	sbarrier.arrive $0xFFFF  }
0x1ba: {  	p0 =	sne.s32 s2, $0x0;
	_ =	strace $0x90000047  }
0x1bb: {  	s0 =	sadd.s32 @!p0 $0x100000, s0;
	[bflag:$0x2] =	sbarrier.arrive $0xFFFF  }
0x1bc: {  	[sflag:s0] =	ssyncadd.tile.s32 @!p0 $0x1;
	_ =	shalt  }
.Lfunc_end2:
_tile_overlayer_lowered:
.L_overlay_start_2:
0x1bd: {  	(tag) =	ssettag $0x2  }
0x1be: {  	s0 =	rddreg [dreg:$0x0];
	s2 =	stileid.u32  }
0x1bf: {  	s1 =	rddreg [dreg:$0x1];
	p0 =	sne.s32 s2, $0x0  }
0x1c0: {  	s3 =	rddreg [dreg:$0x2];
	[bflag:$0x3] =	sbarrier.arrive $0xFFFF;
	s2 =	simm.s32 @!p0 $0x1C01  }
0x1c1: {  	[timem:s3], [sflag:s2] =	dma.local @!p0 [hbm:s0], s1  }
0x1c2: {  	s0 =	simm.s32 @!p0 $0x1  }
0x1c3: {  	_ =	swait.ge @!p0 [sflag:s0], s1  }
0x1c4: {  	s1 =	ssub.s32 @!p0 $0x0, s1;
	[sflag:s0] =	ssyncset.done @!p0 $0x0  }
0x1c5: {  	[sflag:s0] =	ssyncadd.s32 @!p0 s1  }
0x1c6: {  	[bflag:$0x3] =	sbarrier.arrive $0xFFFF  }
0x1c7: {  	_ =	shalt  }

</sc_bundles>
